<compile_context>
chip_gen: v7x
topology: tpu7x:2x2x1
jax: 0.10.2.dev20260603
libtpu: 0.0.44.dev20260713+nightly
codegen_flags: <defaults>
</compile_context>

<pallas_src>
import jax
import jax.numpy as jnp
from jax import lax
from jax.experimental import pallas as pl
from jax.experimental.pallas import tpu as pltpu
from jax.experimental.pallas import tpu_sc as plsc

_B, _C, _H, _W = 256, 3, 224, 224
_E, _N = 16, 1000
_HW = _H * _W
_BLK_H = 8
_NSTEPS = _H // _BLK_H
_L = 16
_NP = 1024
_NCHUNK = _NP // _L
_NW = 32
_BSC = _B // 2
_SPW = _BSC // _NW


def _gap_route_body(xt_ref, Wg_ref, bg_ref, pt_ref, w_ref, ei_ref, ei2_ref,
                    acc_ref):
    i = pl.program_id(0)
    s = jnp.sum(xt_ref[...], axis=(1, 2))

    @pl.when(i == 0)
    def _init():
        acc_ref[...] = s

    @pl.when(i > 0)
    def _accum():
        acc_ref[...] += s

    @pl.when(i == _NSTEPS - 1)
    def _finalize():
        pooled_t = acc_ref[...] * (1.0 / _HW)
        pt_ref[...] = pooled_t
        logits = lax.dot_general(pooled_t, Wg_ref[...],
                                 (((0,), (0,)), ((), ())),
                                 preferred_element_type=jnp.float32)
        logits = logits + bg_ref[...]
        weights = jax.nn.softmax(logits, axis=1)
        w_ref[...] = weights
        m = jnp.max(weights, axis=1, keepdims=True)
        lane = lax.broadcasted_iota(jnp.int32, (_B, _E), 1)
        ei = jnp.min(jnp.where(weights == m, lane, _E), axis=1, keepdims=True)
        ei_ref[...] = ei[:, 0]
        ei2_ref[...] = ei


def _gap_route(xt, Wg, bg2):
    return pl.pallas_call(
        _gap_route_body,
        grid=(_NSTEPS,),
        in_specs=[
            pl.BlockSpec((_C, _BLK_H, _W, _B), lambda i: (0, i, 0, 0)),
            pl.BlockSpec((_C, _E), lambda i: (0, 0)),
            pl.BlockSpec((1, _E), lambda i: (0, 0)),
        ],
        out_specs=[
            pl.BlockSpec((_C, _B), lambda i: (0, 0)),
            pl.BlockSpec((_B, _E), lambda i: (0, 0)),
            pl.BlockSpec((_B,), lambda i: (0,)),
            pl.BlockSpec((_B, 1), lambda i: (0, 0)),
        ],
        out_shape=[
            jax.ShapeDtypeStruct((_C, _B), jnp.float32),
            jax.ShapeDtypeStruct((_B, _E), jnp.float32),
            jax.ShapeDtypeStruct((_B,), jnp.int32),
            jax.ShapeDtypeStruct((_B, 1), jnp.int32),
        ],
        scratch_shapes=[pltpu.VMEM((_C, _B), jnp.float32)],
    )(xt, Wg, bg2)


def _combine_body(pooled_hbm, eidx_hbm, wep_hbm, bep_hbm, out_hbm,
                  pooled_v, idx8_v, idx_v, rows_v, bes_v, out_v, sem0, sem1):
    wid = lax.axis_index("s") * 2 + lax.axis_index("c")
    base = wid * _SPW
    pltpu.sync_copy(pooled_hbm, pooled_v)
    base8 = (wid // 2) * 8
    pltpu.sync_copy(eidx_hbm.at[pl.ds(base8, 8)], idx8_v)
    lane = lax.iota(jnp.int32, _L)
    off = (wid % 2) * _SPW
    g = plsc.load_gather(idx8_v,
                         [jnp.where(lane < _SPW, lane + off, 0)])
    plsc.store_scatter(idx_v, [lane], g, mask=lane < _SPW)
    cp_rows = pltpu.async_copy(wep_hbm.at[idx_v], rows_v, sem0)
    cp_bes = pltpu.async_copy(bep_hbm.at[idx_v], bes_v, sem1)
    cp_rows.wait()
    cp_bes.wait()
    for j in range(_SPW):
        bidx = jnp.full((_L,), base + j, jnp.int32)
        p0, p1, p2 = [plsc.load_gather(pooled_v,
                                       [jnp.full((_L,), c, jnp.int32), bidx])
                      for c in range(_C)]

        def _chunk(n, carry, j=j, p0=p0, p1=p1, p2=p2):
            off = n * _L
            t0 = p0 * rows_v[j, pl.ds(off, _L)]
            t1 = p1 * rows_v[j, pl.ds(_NP + off, _L)]
            t2 = p2 * rows_v[j, pl.ds(2 * _NP + off, _L)]
            out_v[j, pl.ds(off, _L)] = (t0 + t1) + (t2 + bes_v[j, pl.ds(off, _L)])
            return carry

        lax.fori_loop(0, _NCHUNK, _chunk, 0, unroll=8)
    pltpu.sync_copy(out_v, out_hbm.at[pl.ds(base, _SPW)])


def _tc_combine_body(pt_ref, ei2_ref, We_t_ref, be_ref, out_ref):
    pooled_t = pt_ref[...]
    ec = lax.broadcasted_iota(jnp.int32, (_C, _C), 0)
    eye = (ec == ec.T).astype(jnp.float32)
    pooled = lax.dot_general(pooled_t, eye, (((0,), (0,)), ((), ())),
                             preferred_element_type=jnp.float32)
    lane = lax.broadcasted_iota(jnp.int32, (_B - _BSC, _E), 1)
    onehot = (lane == ei2_ref[...]).astype(jnp.float32)
    acc = jnp.dot(onehot, be_ref[...], preferred_element_type=jnp.float32)
    for c in range(_C):
        mp = onehot * pooled[_BSC:, c:c + 1]
        acc = acc + jnp.dot(mp, We_t_ref[c],
                            preferred_element_type=jnp.float32)
    out_ref[...] = acc


def _tc_combine(pooled_t, eidx2, We_t, be):
    return pl.pallas_call(
        _tc_combine_body,
        grid=(1,),
        in_specs=[
            pl.BlockSpec((_C, _B), lambda i: (0, 0)),
            pl.BlockSpec((_B - _BSC, 1), lambda i: (1, 0)),
            pl.BlockSpec((_C, _E, _N), lambda i: (0, 0, 0)),
            pl.BlockSpec((_E, _N), lambda i: (0, 0)),
        ],
        out_specs=pl.BlockSpec((_B - _BSC, _N), lambda i: (0, 0)),
        out_shape=jax.ShapeDtypeStruct((_B - _BSC, _N), jnp.float32),
    )(pooled_t, eidx2, We_t, be)


def kernel(x, Wg, bg, We, be):
    xt = jnp.transpose(x, (1, 2, 3, 0))
    bg2 = bg.reshape(1, _E)
    pooled_t, weights, eidx, eidx2 = _gap_route(xt, Wg, bg2)
    wep = jnp.pad(We, ((0, 0), (0, 0), (0, _NP - _N))).reshape(_E, _C * _NP)
    bep = jnp.pad(be, ((0, 0), (0, _NP - _N)))
    mesh = plsc.VectorSubcoreMesh(core_axis_name="c", subcore_axis_name="s")
    sc = pl.kernel(
        _combine_body,
        out_type=jax.ShapeDtypeStruct((_BSC, _NP), jnp.float32),
        mesh=mesh,
        scratch_types=[
            pltpu.VMEM((_C, _B), jnp.float32),
            pltpu.VMEM((8,), jnp.int32),
            pltpu.VMEM((_SPW,), jnp.int32),
            pltpu.VMEM((_SPW, _C * _NP), jnp.float32),
            pltpu.VMEM((_SPW, _NP), jnp.float32),
            pltpu.VMEM((_SPW, _NP), jnp.float32),
            pltpu.SemaphoreType.DMA,
            pltpu.SemaphoreType.DMA,
        ],
        compiler_params=pltpu.CompilerParams(needs_layout_passes=False),
    )
    out_a = sc(pooled_t, eidx, wep, bep)
    We_t = We.transpose(1, 0, 2)
    out_b = _tc_combine(pooled_t, eidx2, We_t, be)
    out = jnp.concatenate([out_a[:, :_N], out_b], axis=0)
    return (out, weights)

# --- scband reference (transcript-rebuilt; emitter-appended) ---
"""Pipeline reference for scband-mo-emodel-15444702396744 (READ-ONLY COPY).

The authoritative reference and input builder live on the scoring server;
editing this copy changes nothing except your own understanding.
"""

import jax, jax.numpy as jnp
import numpy as np

# NOTE: GatingNetwork and ExpertLayer are not defined in the provided source.
# We assume the canonical minimal implementation consistent with the usage:
#   GatingNetwork: global-average-pool over (H,W) -> Linear(C, num_experts) -> softmax
#   ExpertLayer:   global-average-pool over (H,W) -> Linear(C, num_classes)  (self.linear)
# Hard routing: each sample is processed only by its argmax expert. We compute all
# experts densely and select per-sample, which is mathematically identical for the
# forward output (and yields identical gradients since unselected outputs get zero
# cotangent).

B, C, H, W = 256, 3, 224, 224
E, N = 16, 1000

def setup_inputs(seed: int = 0) -> dict:
    key = jax.random.key(seed)
    ks = jax.random.split(key, 4)
    x = jax.random.normal(ks[0], (B, C, H, W), dtype=jnp.float32)
    Wg = jax.random.normal(ks[1], (C, E), dtype=jnp.float32) * 0.1
    bg = jnp.zeros((E,), dtype=jnp.float32)
    We = jax.random.normal(ks[2], (E, C, N), dtype=jnp.float32) * 0.1
    be = jnp.zeros((E, N), dtype=jnp.float32)
    return {"x": x, "Wg": Wg, "bg": bg, "We": We, "be": be}

def reference(x, Wg, bg, We, be):
    # Router: GAP + linear + softmax -> weights [B, E]
    pooled = jnp.mean(x, axis=(2, 3))                      # [B, C]
    logits = pooled @ Wg + bg                              # [B, E]
    weights = jax.nn.softmax(logits, axis=1)
    # Hard routing: best expert per sample (torch.max over dim=1)
    best_index = jnp.argmax(weights, axis=1)               # [B]
    # Expert outputs: GAP + per-expert linear
    all_out = jnp.einsum('bc,ecn->ebn', pooled, We) + be[:, None, :]  # [E, B, N]
    # Dispatch/combine: gather the output of the selected expert per sample
    final_output = all_out[best_index, jnp.arange(x.shape[0])]        # [B, N]
    return (final_output, weights)

if __name__ == "__main__":
    import jax
    _d = setup_inputs()
    print(jax.jit(kernel)(*tuple(_d.values())))

</pallas_src>

<mosaic_0001>
#map = affine_map<(d0, d1) -> (0, 0)>
#map1 = affine_map<(d0, d1) -> (0)>
module attributes {stable_mosaic.version = 14 : i64} {
  func.func @_combine_body(%arg0: i32, %arg1: i32, %arg2: memref<3x256xf32, #tpu.memory_space<hbm>>, %arg3: memref<256xi32, #tpu.memory_space<hbm>>, %arg4: memref<16x3072xf32, #tpu.memory_space<hbm>>, %arg5: memref<16x1024xf32, #tpu.memory_space<hbm>>, %arg6: memref<128x1024xf32, #tpu.memory_space<hbm>>, %arg7: memref<3x256xf32, #tpu.memory_space<vmem>>, %arg8: memref<8xi32, #tpu.memory_space<vmem>>, %arg9: memref<4xi32, #tpu.memory_space<vmem>>, %arg10: memref<4x3072xf32, #tpu.memory_space<vmem>>, %arg11: memref<4x1024xf32, #tpu.memory_space<vmem>>, %arg12: memref<4x1024xf32, #tpu.memory_space<vmem>>, %arg13: memref<!tpu.dma_semaphore, #tpu.memory_space<semaphore_mem>>, %arg14: memref<!tpu.dma_semaphore, #tpu.memory_space<semaphore_mem>>) attributes {dimension_semantics = [#tpu.dimension_semantics<core_parallel>, #tpu.dimension_semantics<subcore_parallel>], iteration_bounds = array<i64: 2, 16>, scalar_prefetch = 0 : i64, scratch_operands = 8 : i64, tpu.core_type = #tpu.core_type<sc_vector_subcore>, window_params = [{transform_indices = #map}, {transform_indices = #map1}, {transform_indices = #map}, {transform_indices = #map}, {transform_indices = #map}]} {
    %mul3A = arith.constant 2 : i32
    %mul3A_0 = arith.muli %arg1, %mul3A : i32
    %add3A = arith.addi %mul3A_0, %arg0 : i32
    %mul3A_1 = arith.constant 4 : i32
    %mul3A_2 = arith.muli %add3A, %mul3A_1 : i32
    "tpu.region"() ({
      %run_scoped3A = tpu.sem_alloc : memref<!tpu.dma_semaphore, #tpu.memory_space<semaphore_mem>>
      tpu.enqueue_dma source(%arg2 : memref<3x256xf32, #tpu.memory_space<hbm>>) target(%arg7 : memref<3x256xf32, #tpu.memory_space<vmem>>) target_semaphore(%run_scoped3A : memref<!tpu.dma_semaphore, #tpu.memory_space<semaphore_mem>>)
      tpu.wait_dma2 semaphore(%run_scoped3A : memref<!tpu.dma_semaphore, #tpu.memory_space<semaphore_mem>>) src(%arg2 : memref<3x256xf32, #tpu.memory_space<hbm>>) dst(%arg7 : memref<3x256xf32, #tpu.memory_space<vmem>>)
      tpu.yield
    }) : () -> ()
    %jit3A = arith.constant 2 : i32
    %div3A = arith.divsi %add3A, %jit3A : i32
    %sign3A = arith.constant 0 : i32
    %sign3A_3 = arith.cmpi sgt, %add3A, %sign3A : i32
    %sign3A_4 = arith.extui %sign3A_3 : i1 to i32
    %sign3A_5 = arith.constant 0 : i32
    %sign3A_6 = arith.cmpi slt, %add3A, %sign3A_5 : i32
    %sign3A_7 = arith.extui %sign3A_6 : i1 to i32
    %sign3A_8 = arith.subi %sign3A_4, %sign3A_7 : i32
    %sign3A_9 = arith.constant 0 : i32
    %sign3A_10 = arith.cmpi sgt, %jit3A, %sign3A_9 : i32
    %sign3A_11 = arith.extui %sign3A_10 : i1 to i32
    %sign3A_12 = arith.constant 0 : i32
    %sign3A_13 = arith.cmpi slt, %jit3A, %sign3A_12 : i32
    %sign3A_14 = arith.extui %sign3A_13 : i1 to i32
    %sign3A_15 = arith.subi %sign3A_11, %sign3A_14 : i32
    %ne3A = arith.cmpi ne, %sign3A_8, %sign3A_15 : i32
    %rem3A = arith.remsi %add3A, %jit3A : i32
    %ne3A_16 = arith.constant 0 : i32
    %ne3A_17 = arith.cmpi ne, %rem3A, %ne3A_16 : i32
    %and3A = arith.andi %ne3A, %ne3A_17 : i1
    %sub3A = arith.constant 1 : i32
    %sub3A_18 = arith.subi %div3A, %sub3A : i32
    %select_n3A = arith.select %and3A, %sub3A_18, %div3A : i32
    %mul3A_19 = arith.constant 8 : i32
    %mul3A_20 = arith.muli %select_n3A, %mul3A_19 : i32
    "tpu.region"() ({
      %run_scoped3A = tpu.sem_alloc : memref<!tpu.dma_semaphore, #tpu.memory_space<semaphore_mem>>
      %dma_start3A_128 = tpu.memref_slice %arg3[%mul3A_20] : memref<256xi32, #tpu.memory_space<hbm>> -> memref<8xi32, #tpu.memory_space<hbm>>
      %dma_start3A_129 = tpu.memref_slice %arg3[%mul3A_20] : memref<256xi32, #tpu.memory_space<hbm>> -> memref<8xi32, #tpu.memory_space<hbm>>
      tpu.enqueue_dma source(%dma_start3A_129 : memref<8xi32, #tpu.memory_space<hbm>>) target(%arg8 : memref<8xi32, #tpu.memory_space<vmem>>) target_semaphore(%run_scoped3A : memref<!tpu.dma_semaphore, #tpu.memory_space<semaphore_mem>>)
      %dma_wait3A_130 = tpu.memref_slice %arg3[%mul3A_20] : memref<256xi32, #tpu.memory_space<hbm>> -> memref<8xi32, #tpu.memory_space<hbm>>
      %dma_wait3A_131 = tpu.memref_slice %arg3[%mul3A_20] : memref<256xi32, #tpu.memory_space<hbm>> -> memref<8xi32, #tpu.memory_space<hbm>>
      tpu.wait_dma2 semaphore(%run_scoped3A : memref<!tpu.dma_semaphore, #tpu.memory_space<semaphore_mem>>) src(%dma_wait3A_131 : memref<8xi32, #tpu.memory_space<hbm>>) dst(%arg8 : memref<8xi32, #tpu.memory_space<vmem>>)
      tpu.yield
    }) : () -> ()
    %iota3A = tpu.iota {dimensions = array<i32: 0>} : vector<16xi32>
    %jit3A_21 = arith.constant 2 : i32
    %eq3A = arith.constant 0 : i32
    %eq3A_22 = arith.cmpi eq, %jit3A_21, %eq3A : i32
    %jit3A_23 = arith.constant 1 : i32
    %select_n3A_24 = arith.select %eq3A_22, %jit3A_23, %jit3A_21 : i32
    %rem3A_25 = arith.remsi %add3A, %select_n3A_24 : i32
    %ne3A_26 = arith.constant 0 : i32
    %ne3A_27 = arith.cmpi ne, %rem3A_25, %ne3A_26 : i32
    %lt3A = arith.constant 0 : i32
    %lt3A_28 = arith.cmpi slt, %rem3A_25, %lt3A : i32
    %lt3A_29 = arith.constant 0 : i32
    %lt3A_30 = arith.cmpi slt, %select_n3A_24, %lt3A_29 : i32
    %ne3A_31 = arith.xori %lt3A_28, %lt3A_30 : i1
    %and3A_32 = arith.andi %ne3A_31, %ne3A_27 : i1
    %add3A_33 = arith.addi %rem3A_25, %select_n3A_24 : i32
    %select_n3A_34 = arith.select %and3A_32, %add3A_33, %rem3A_25 : i32
    %mul3A_35 = arith.constant 4 : i32
    %mul3A_36 = arith.muli %select_n3A_34, %mul3A_35 : i32
    %lt3A_37 = arith.constant 4 : i32
    %lt3A_38 = vector.broadcast %lt3A_37 : i32 to vector<16xi32>
    %lt3A_39 = arith.cmpi slt, %iota3A, %lt3A_38 : vector<16xi32>
    %add3A_40 = vector.broadcast %mul3A_36 : i32 to vector<16xi32>
    %add3A_41 = arith.addi %iota3A, %add3A_40 : vector<16xi32>
    %jit3A_42 = arith.constant 0 : i32
    %broadcast_in_dim3A = vector.broadcast %jit3A_42 : i32 to vector<16xi32>
    %select_n3A_43 = arith.select %lt3A_39, %add3A_41, %broadcast_in_dim3A : vector<16xi1>, vector<16xi32>
    %gather3A = tpu.vector_load_idx %arg8[%select_n3A_43] : memref<8xi32, #tpu.memory_space<vmem>>[vector<16xi32>], vector<16xi32>,
    %lt3A_44 = arith.constant 4 : i32
    %lt3A_45 = vector.broadcast %lt3A_44 : i32 to vector<16xi32>
    %lt3A_46 = arith.cmpi slt, %iota3A, %lt3A_45 : vector<16xi32>
    tpu.vector_store_idx %arg9[%iota3A], %gather3A masked %lt3A_46 : memref<4xi32, #tpu.memory_space<vmem>>[vector<16xi32>], vector<16xi32>, vector<16xi1>
    %dma_start3A = arith.constant 0 : i32
    %dma_start3A_47 = arith.constant 0 : i32
    %dma_start3A_48 = tpu.memref_slice %arg4[%dma_start3A, %dma_start3A_47] : memref<16x3072xf32, #tpu.memory_space<hbm>> -> memref<16x3072xf32, #tpu.memory_space<hbm>>
    tpu.enqueue_indirect_dma source(%dma_start3A_48 : memref<16x3072xf32, #tpu.memory_space<hbm>>) target(%arg10 : memref<4x3072xf32, #tpu.memory_space<vmem>>) offsets(%arg9 : memref<4xi32, #tpu.memory_space<vmem>>) semaphore(%arg13 : memref<!tpu.dma_semaphore, #tpu.memory_space<semaphore_mem>>)
    %dma_start3A_49 = arith.constant 0 : i32
    %dma_start3A_50 = arith.constant 0 : i32
    %dma_start3A_51 = tpu.memref_slice %arg5[%dma_start3A_49, %dma_start3A_50] : memref<16x1024xf32, #tpu.memory_space<hbm>> -> memref<16x1024xf32, #tpu.memory_space<hbm>>
    tpu.enqueue_indirect_dma source(%dma_start3A_51 : memref<16x1024xf32, #tpu.memory_space<hbm>>) target(%arg11 : memref<4x1024xf32, #tpu.memory_space<vmem>>) offsets(%arg9 : memref<4xi32, #tpu.memory_space<vmem>>) semaphore(%arg14 : memref<!tpu.dma_semaphore, #tpu.memory_space<semaphore_mem>>)
    %dma_wait3A = arith.constant 0 : i32
    %dma_wait3A_52 = arith.constant 0 : i32
    %dma_wait3A_53 = tpu.memref_slice %arg4[%dma_wait3A, %dma_wait3A_52] : memref<16x3072xf32, #tpu.memory_space<hbm>> -> memref<16x3072xf32, #tpu.memory_space<hbm>>
    tpu.wait_indirect_dma semaphore(%arg13 : memref<!tpu.dma_semaphore, #tpu.memory_space<semaphore_mem>>) src(%dma_wait3A_53 : memref<16x3072xf32, #tpu.memory_space<hbm>>) dst(%arg10 : memref<4x3072xf32, #tpu.memory_space<vmem>>)
    %dma_wait3A_54 = arith.constant 0 : i32
    %dma_wait3A_55 = arith.constant 0 : i32
    %dma_wait3A_56 = tpu.memref_slice %arg5[%dma_wait3A_54, %dma_wait3A_55] : memref<16x1024xf32, #tpu.memory_space<hbm>> -> memref<16x1024xf32, #tpu.memory_space<hbm>>
    tpu.wait_indirect_dma semaphore(%arg14 : memref<!tpu.dma_semaphore, #tpu.memory_space<semaphore_mem>>) src(%dma_wait3A_56 : memref<16x1024xf32, #tpu.memory_space<hbm>>) dst(%arg11 : memref<4x1024xf32, #tpu.memory_space<vmem>>)
    %add3A_57 = arith.constant 0 : i32
    %add3A_58 = arith.addi %mul3A_2, %add3A_57 : i32
    %broadcast_in_dim3A_59 = vector.broadcast %add3A_58 : i32 to vector<16xi32>
    %broadcast_in_dim3A_60 = arith.constant 0 : i32
    %broadcast_in_dim3A_61 = vector.broadcast %broadcast_in_dim3A_60 : i32 to vector<16xi32>
    %gather3A_62 = tpu.vector_load_idx %arg7[%broadcast_in_dim3A_61, %broadcast_in_dim3A_59] : memref<3x256xf32, #tpu.memory_space<vmem>>[vector<16xi32>, vector<16xi32>], vector<16xf32>,
    %broadcast_in_dim3A_63 = arith.constant 1 : i32
    %broadcast_in_dim3A_64 = vector.broadcast %broadcast_in_dim3A_63 : i32 to vector<16xi32>
    %gather3A_65 = tpu.vector_load_idx %arg7[%broadcast_in_dim3A_64, %broadcast_in_dim3A_59] : memref<3x256xf32, #tpu.memory_space<vmem>>[vector<16xi32>, vector<16xi32>], vector<16xf32>,
    %broadcast_in_dim3A_66 = arith.constant 2 : i32
    %broadcast_in_dim3A_67 = vector.broadcast %broadcast_in_dim3A_66 : i32 to vector<16xi32>
    %gather3A_68 = tpu.vector_load_idx %arg7[%broadcast_in_dim3A_67, %broadcast_in_dim3A_59] : memref<3x256xf32, #tpu.memory_space<vmem>>[vector<16xi32>, vector<16xi32>], vector<16xf32>,
    %scan3A = arith.constant 0 : i32
    %scan3A_69 = arith.constant 0 : i32
    %scan3A_70 = arith.constant 64 : i32
    %scan3A_71 = arith.addi %scan3A_69, %scan3A_70 : i32
    %scan3A_72 = arith.constant 8 : i32
    scf.for %scan3A_128 = %scan3A_69 to %scan3A_71 step %scan3A_72  : i32 {
      %mul3A_129 = arith.constant 16 : i32
      %mul3A_130 = arith.muli %scan3A_128, %mul3A_129 : i32
      %get3A = arith.constant 0 : i32
      %get3A_131 = arith.index_cast %get3A : i32 to index
      %get3A_132 = arith.index_cast %mul3A_130 : i32 to index
      %get3A_133 = tpu.vector_load %arg10[%get3A_131, %get3A_132] {strides = array<i32>} : memref<4x3072xf32, #tpu.memory_space<vmem>>, vector<16xf32>,
      %mul3A_134 = arith.mulf %gather3A_62, %get3A_133 : vector<16xf32>
      %add3A_135 = arith.constant 1024 : i32
      %add3A_136 = arith.addi %add3A_135, %mul3A_130 : i32
      %get3A_137 = arith.constant 0 : i32
      %get3A_138 = arith.index_cast %get3A_137 : i32 to index
      %get3A_139 = arith.index_cast %add3A_136 : i32 to index
      %get3A_140 = tpu.vector_load %arg10[%get3A_138, %get3A_139] {strides = array<i32>} : memref<4x3072xf32, #tpu.memory_space<vmem>>, vector<16xf32>,
      %mul3A_141 = arith.mulf %gather3A_65, %get3A_140 : vector<16xf32>
      %add3A_142 = arith.constant 2048 : i32
      %add3A_143 = arith.addi %add3A_142, %mul3A_130 : i32
      %get3A_144 = arith.constant 0 : i32
      %get3A_145 = arith.index_cast %get3A_144 : i32 to index
      %get3A_146 = arith.index_cast %add3A_143 : i32 to index
      %get3A_147 = tpu.vector_load %arg10[%get3A_145, %get3A_146] {strides = array<i32>} : memref<4x3072xf32, #tpu.memory_space<vmem>>, vector<16xf32>,
      %mul3A_148 = arith.mulf %gather3A_68, %get3A_147 : vector<16xf32>
      %add3A_149 = arith.addf %mul3A_134, %mul3A_141 : vector<16xf32>
      %get3A_150 = arith.constant 0 : i32
      %get3A_151 = arith.index_cast %get3A_150 : i32 to index
      %get3A_152 = arith.index_cast %mul3A_130 : i32 to index
      %get3A_153 = tpu.vector_load %arg11[%get3A_151, %get3A_152] {strides = array<i32>} : memref<4x1024xf32, #tpu.memory_space<vmem>>, vector<16xf32>,
      %add3A_154 = arith.addf %mul3A_148, %get3A_153 : vector<16xf32>
      %add3A_155 = arith.addf %add3A_149, %add3A_154 : vector<16xf32>
      %swap3A = arith.constant 0 : i32
      %swap3A_156 = arith.index_cast %swap3A : i32 to index
      %swap3A_157 = arith.index_cast %mul3A_130 : i32 to index
      %swap3A_158 = tpu.vector_load %arg12[%swap3A_156, %swap3A_157] {strides = array<i32>} : memref<4x1024xf32, #tpu.memory_space<vmem>>, vector<16xf32>,
      tpu.vector_store %arg12[%swap3A_156, %swap3A_157], %add3A_155 {strides = array<i32>} : memref<4x1024xf32, #tpu.memory_space<vmem>>, vector<16xf32>,
      %scan3A_159 = arith.constant 1 : i32
      %scan3A_160 = arith.addi %scan3A_128, %scan3A_159 : i32
      %mul3A_161 = arith.constant 16 : i32
      %mul3A_162 = arith.muli %scan3A_160, %mul3A_161 : i32
      %get3A_163 = arith.constant 0 : i32
      %get3A_164 = arith.index_cast %get3A_163 : i32 to index
      %get3A_165 = arith.index_cast %mul3A_162 : i32 to index
      %get3A_166 = tpu.vector_load %arg10[%get3A_164, %get3A_165] {strides = array<i32>} : memref<4x3072xf32, #tpu.memory_space<vmem>>, vector<16xf32>,
      %mul3A_167 = arith.mulf %gather3A_62, %get3A_166 : vector<16xf32>
      %add3A_168 = arith.constant 1024 : i32
      %add3A_169 = arith.addi %add3A_168, %mul3A_162 : i32
      %get3A_170 = arith.constant 0 : i32
      %get3A_171 = arith.index_cast %get3A_170 : i32 to index
      %get3A_172 = arith.index_cast %add3A_169 : i32 to index
      %get3A_173 = tpu.vector_load %arg10[%get3A_171, %get3A_172] {strides = array<i32>} : memref<4x3072xf32, #tpu.memory_space<vmem>>, vector<16xf32>,
      %mul3A_174 = arith.mulf %gather3A_65, %get3A_173 : vector<16xf32>
      %add3A_175 = arith.constant 2048 : i32
      %add3A_176 = arith.addi %add3A_175, %mul3A_162 : i32
      %get3A_177 = arith.constant 0 : i32
      %get3A_178 = arith.index_cast %get3A_177 : i32 to index
      %get3A_179 = arith.index_cast %add3A_176 : i32 to index
      %get3A_180 = tpu.vector_load %arg10[%get3A_178, %get3A_179] {strides = array<i32>} : memref<4x3072xf32, #tpu.memory_space<vmem>>, vector<16xf32>,
      %mul3A_181 = arith.mulf %gather3A_68, %get3A_180 : vector<16xf32>
      %add3A_182 = arith.addf %mul3A_167, %mul3A_174 : vector<16xf32>
      %get3A_183 = arith.constant 0 : i32
      %get3A_184 = arith.index_cast %get3A_183 : i32 to index
      %get3A_185 = arith.index_cast %mul3A_162 : i32 to index
      %get3A_186 = tpu.vector_load %arg11[%get3A_184, %get3A_185] {strides = array<i32>} : memref<4x1024xf32, #tpu.memory_space<vmem>>, vector<16xf32>,
      %add3A_187 = arith.addf %mul3A_181, %get3A_186 : vector<16xf32>
      %add3A_188 = arith.addf %add3A_182, %add3A_187 : vector<16xf32>
      %swap3A_189 = arith.constant 0 : i32
      %swap3A_190 = arith.index_cast %swap3A_189 : i32 to index
      %swap3A_191 = arith.index_cast %mul3A_162 : i32 to index
      %swap3A_192 = tpu.vector_load %arg12[%swap3A_190, %swap3A_191] {strides = array<i32>} : memref<4x1024xf32, #tpu.memory_space<vmem>>, vector<16xf32>,
      tpu.vector_store %arg12[%swap3A_190, %swap3A_191], %add3A_188 {strides = array<i32>} : memref<4x1024xf32, #tpu.memory_space<vmem>>, vector<16xf32>,
      %scan3A_193 = arith.constant 2 : i32
      %scan3A_194 = arith.addi %scan3A_128, %scan3A_193 : i32
      %mul3A_195 = arith.constant 16 : i32
      %mul3A_196 = arith.muli %scan3A_194, %mul3A_195 : i32
      %get3A_197 = arith.constant 0 : i32
      %get3A_198 = arith.index_cast %get3A_197 : i32 to index
      %get3A_199 = arith.index_cast %mul3A_196 : i32 to index
      %get3A_200 = tpu.vector_load %arg10[%get3A_198, %get3A_199] {strides = array<i32>} : memref<4x3072xf32, #tpu.memory_space<vmem>>, vector<16xf32>,
      %mul3A_201 = arith.mulf %gather3A_62, %get3A_200 : vector<16xf32>
      %add3A_202 = arith.constant 1024 : i32
      %add3A_203 = arith.addi %add3A_202, %mul3A_196 : i32
      %get3A_204 = arith.constant 0 : i32
      %get3A_205 = arith.index_cast %get3A_204 : i32 to index
      %get3A_206 = arith.index_cast %add3A_203 : i32 to index
      %get3A_207 = tpu.vector_load %arg10[%get3A_205, %get3A_206] {strides = array<i32>} : memref<4x3072xf32, #tpu.memory_space<vmem>>, vector<16xf32>,
      %mul3A_208 = arith.mulf %gather3A_65, %get3A_207 : vector<16xf32>
      %add3A_209 = arith.constant 2048 : i32
      %add3A_210 = arith.addi %add3A_209, %mul3A_196 : i32
      %get3A_211 = arith.constant 0 : i32
      %get3A_212 = arith.index_cast %get3A_211 : i32 to index
      %get3A_213 = arith.index_cast %add3A_210 : i32 to index
      %get3A_214 = tpu.vector_load %arg10[%get3A_212, %get3A_213] {strides = array<i32>} : memref<4x3072xf32, #tpu.memory_space<vmem>>, vector<16xf32>,
      %mul3A_215 = arith.mulf %gather3A_68, %get3A_214 : vector<16xf32>
      %add3A_216 = arith.addf %mul3A_201, %mul3A_208 : vector<16xf32>
      %get3A_217 = arith.constant 0 : i32
      %get3A_218 = arith.index_cast %get3A_217 : i32 to index
      %get3A_219 = arith.index_cast %mul3A_196 : i32 to index
      %get3A_220 = tpu.vector_load %arg11[%get3A_218, %get3A_219] {strides = array<i32>} : memref<4x1024xf32, #tpu.memory_space<vmem>>, vector<16xf32>,
      %add3A_221 = arith.addf %mul3A_215, %get3A_220 : vector<16xf32>
      %add3A_222 = arith.addf %add3A_216, %add3A_221 : vector<16xf32>
      %swap3A_223 = arith.constant 0 : i32
      %swap3A_224 = arith.index_cast %swap3A_223 : i32 to index
      %swap3A_225 = arith.index_cast %mul3A_196 : i32 to index
      %swap3A_226 = tpu.vector_load %arg12[%swap3A_224, %swap3A_225] {strides = array<i32>} : memref<4x1024xf32, #tpu.memory_space<vmem>>, vector<16xf32>,
      tpu.vector_store %arg12[%swap3A_224, %swap3A_225], %add3A_222 {strides = array<i32>} : memref<4x1024xf32, #tpu.memory_space<vmem>>, vector<16xf32>,
      %scan3A_227 = arith.constant 3 : i32
      %scan3A_228 = arith.addi %scan3A_128, %scan3A_227 : i32
      %mul3A_229 = arith.constant 16 : i32
      %mul3A_230 = arith.muli %scan3A_228, %mul3A_229 : i32
      %get3A_231 = arith.constant 0 : i32
      %get3A_232 = arith.index_cast %get3A_231 : i32 to index
      %get3A_233 = arith.index_cast %mul3A_230 : i32 to index
      %get3A_234 = tpu.vector_load %arg10[%get3A_232, %get3A_233] {strides = array<i32>} : memref<4x3072xf32, #tpu.memory_space<vmem>>, vector<16xf32>,
      %mul3A_235 = arith.mulf %gather3A_62, %get3A_234 : vector<16xf32>
      %add3A_236 = arith.constant 1024 : i32
      %add3A_237 = arith.addi %add3A_236, %mul3A_230 : i32
      %get3A_238 = arith.constant 0 : i32
      %get3A_239 = arith.index_cast %get3A_238 : i32 to index
      %get3A_240 = arith.index_cast %add3A_237 : i32 to index
      %get3A_241 = tpu.vector_load %arg10[%get3A_239, %get3A_240] {strides = array<i32>} : memref<4x3072xf32, #tpu.memory_space<vmem>>, vector<16xf32>,
      %mul3A_242 = arith.mulf %gather3A_65, %get3A_241 : vector<16xf32>
      %add3A_243 = arith.constant 2048 : i32
      %add3A_244 = arith.addi %add3A_243, %mul3A_230 : i32
      %get3A_245 = arith.constant 0 : i32
      %get3A_246 = arith.index_cast %get3A_245 : i32 to index
      %get3A_247 = arith.index_cast %add3A_244 : i32 to index
      %get3A_248 = tpu.vector_load %arg10[%get3A_246, %get3A_247] {strides = array<i32>} : memref<4x3072xf32, #tpu.memory_space<vmem>>, vector<16xf32>,
      %mul3A_249 = arith.mulf %gather3A_68, %get3A_248 : vector<16xf32>
      %add3A_250 = arith.addf %mul3A_235, %mul3A_242 : vector<16xf32>
      %get3A_251 = arith.constant 0 : i32
      %get3A_252 = arith.index_cast %get3A_251 : i32 to index
      %get3A_253 = arith.index_cast %mul3A_230 : i32 to index
      %get3A_254 = tpu.vector_load %arg11[%get3A_252, %get3A_253] {strides = array<i32>} : memref<4x1024xf32, #tpu.memory_space<vmem>>, vector<16xf32>,
      %add3A_255 = arith.addf %mul3A_249, %get3A_254 : vector<16xf32>
      %add3A_256 = arith.addf %add3A_250, %add3A_255 : vector<16xf32>
      %swap3A_257 = arith.constant 0 : i32
      %swap3A_258 = arith.index_cast %swap3A_257 : i32 to index
      %swap3A_259 = arith.index_cast %mul3A_230 : i32 to index
      %swap3A_260 = tpu.vector_load %arg12[%swap3A_258, %swap3A_259] {strides = array<i32>} : memref<4x1024xf32, #tpu.memory_space<vmem>>, vector<16xf32>,
      tpu.vector_store %arg12[%swap3A_258, %swap3A_259], %add3A_256 {strides = array<i32>} : memref<4x1024xf32, #tpu.memory_space<vmem>>, vector<16xf32>,
      %scan3A_261 = arith.constant 4 : i32
      %scan3A_262 = arith.addi %scan3A_128, %scan3A_261 : i32
      %mul3A_263 = arith.constant 16 : i32
      %mul3A_264 = arith.muli %scan3A_262, %mul3A_263 : i32
      %get3A_265 = arith.constant 0 : i32
      %get3A_266 = arith.index_cast %get3A_265 : i32 to index
      %get3A_267 = arith.index_cast %mul3A_264 : i32 to index
      %get3A_268 = tpu.vector_load %arg10[%get3A_266, %get3A_267] {strides = array<i32>} : memref<4x3072xf32, #tpu.memory_space<vmem>>, vector<16xf32>,
      %mul3A_269 = arith.mulf %gather3A_62, %get3A_268 : vector<16xf32>
      %add3A_270 = arith.constant 1024 : i32
      %add3A_271 = arith.addi %add3A_270, %mul3A_264 : i32
      %get3A_272 = arith.constant 0 : i32
      %get3A_273 = arith.index_cast %get3A_272 : i32 to index
      %get3A_274 = arith.index_cast %add3A_271 : i32 to index
      %get3A_275 = tpu.vector_load %arg10[%get3A_273, %get3A_274] {strides = array<i32>} : memref<4x3072xf32, #tpu.memory_space<vmem>>, vector<16xf32>,
      %mul3A_276 = arith.mulf %gather3A_65, %get3A_275 : vector<16xf32>
      %add3A_277 = arith.constant 2048 : i32
      %add3A_278 = arith.addi %add3A_277, %mul3A_264 : i32
      %get3A_279 = arith.constant 0 : i32
      %get3A_280 = arith.index_cast %get3A_279 : i32 to index
      %get3A_281 = arith.index_cast %add3A_278 : i32 to index
      %get3A_282 = tpu.vector_load %arg10[%get3A_280, %get3A_281] {strides = array<i32>} : memref<4x3072xf32, #tpu.memory_space<vmem>>, vector<16xf32>,
      %mul3A_283 = arith.mulf %gather3A_68, %get3A_282 : vector<16xf32>
      %add3A_284 = arith.addf %mul3A_269, %mul3A_276 : vector<16xf32>
      %get3A_285 = arith.constant 0 : i32
      %get3A_286 = arith.index_cast %get3A_285 : i32 to index
      %get3A_287 = arith.index_cast %mul3A_264 : i32 to index
      %get3A_288 = tpu.vector_load %arg11[%get3A_286, %get3A_287] {strides = array<i32>} : memref<4x1024xf32, #tpu.memory_space<vmem>>, vector<16xf32>,
      %add3A_289 = arith.addf %mul3A_283, %get3A_288 : vector<16xf32>
      %add3A_290 = arith.addf %add3A_284, %add3A_289 : vector<16xf32>
      %swap3A_291 = arith.constant 0 : i32
      %swap3A_292 = arith.index_cast %swap3A_291 : i32 to index
      %swap3A_293 = arith.index_cast %mul3A_264 : i32 to index
      %swap3A_294 = tpu.vector_load %arg12[%swap3A_292, %swap3A_293] {strides = array<i32>} : memref<4x1024xf32, #tpu.memory_space<vmem>>, vector<16xf32>,
      tpu.vector_store %arg12[%swap3A_292, %swap3A_293], %add3A_290 {strides = array<i32>} : memref<4x1024xf32, #tpu.memory_space<vmem>>, vector<16xf32>,
      %scan3A_295 = arith.constant 5 : i32
      %scan3A_296 = arith.addi %scan3A_128, %scan3A_295 : i32
      %mul3A_297 = arith.constant 16 : i32
      %mul3A_298 = arith.muli %scan3A_296, %mul3A_297 : i32
      %get3A_299 = arith.constant 0 : i32
      %get3A_300 = arith.index_cast %get3A_299 : i32 to index
      %get3A_301 = arith.index_cast %mul3A_298 : i32 to index
      %get3A_302 = tpu.vector_load %arg10[%get3A_300, %get3A_301] {strides = array<i32>} : memref<4x3072xf32, #tpu.memory_space<vmem>>, vector<16xf32>,
      %mul3A_303 = arith.mulf %gather3A_62, %get3A_302 : vector<16xf32>
      %add3A_304 = arith.constant 1024 : i32
      %add3A_305 = arith.addi %add3A_304, %mul3A_298 : i32
      %get3A_306 = arith.constant 0 : i32
      %get3A_307 = arith.index_cast %get3A_306 : i32 to index
      %get3A_308 = arith.index_cast %add3A_305 : i32 to index
      %get3A_309 = tpu.vector_load %arg10[%get3A_307, %get3A_308] {strides = array<i32>} : memref<4x3072xf32, #tpu.memory_space<vmem>>, vector<16xf32>,
      %mul3A_310 = arith.mulf %gather3A_65, %get3A_309 : vector<16xf32>
      %add3A_311 = arith.constant 2048 : i32
      %add3A_312 = arith.addi %add3A_311, %mul3A_298 : i32
      %get3A_313 = arith.constant 0 : i32
      %get3A_314 = arith.index_cast %get3A_313 : i32 to index
      %get3A_315 = arith.index_cast %add3A_312 : i32 to index
      %get3A_316 = tpu.vector_load %arg10[%get3A_314, %get3A_315] {strides = array<i32>} : memref<4x3072xf32, #tpu.memory_space<vmem>>, vector<16xf32>,
      %mul3A_317 = arith.mulf %gather3A_68, %get3A_316 : vector<16xf32>
      %add3A_318 = arith.addf %mul3A_303, %mul3A_310 : vector<16xf32>
      %get3A_319 = arith.constant 0 : i32
      %get3A_320 = arith.index_cast %get3A_319 : i32 to index
      %get3A_321 = arith.index_cast %mul3A_298 : i32 to index
      %get3A_322 = tpu.vector_load %arg11[%get3A_320, %get3A_321] {strides = array<i32>} : memref<4x1024xf32, #tpu.memory_space<vmem>>, vector<16xf32>,
      %add3A_323 = arith.addf %mul3A_317, %get3A_322 : vector<16xf32>
      %add3A_324 = arith.addf %add3A_318, %add3A_323 : vector<16xf32>
      %swap3A_325 = arith.constant 0 : i32
      %swap3A_326 = arith.index_cast %swap3A_325 : i32 to index
      %swap3A_327 = arith.index_cast %mul3A_298 : i32 to index
      %swap3A_328 = tpu.vector_load %arg12[%swap3A_326, %swap3A_327] {strides = array<i32>} : memref<4x1024xf32, #tpu.memory_space<vmem>>, vector<16xf32>,
      tpu.vector_store %arg12[%swap3A_326, %swap3A_327], %add3A_324 {strides = array<i32>} : memref<4x1024xf32, #tpu.memory_space<vmem>>, vector<16xf32>,
      %scan3A_329 = arith.constant 6 : i32
      %scan3A_330 = arith.addi %scan3A_128, %scan3A_329 : i32
      %mul3A_331 = arith.constant 16 : i32
      %mul3A_332 = arith.muli %scan3A_330, %mul3A_331 : i32
      %get3A_333 = arith.constant 0 : i32
      %get3A_334 = arith.index_cast %get3A_333 : i32 to index
      %get3A_335 = arith.index_cast %mul3A_332 : i32 to index
      %get3A_336 = tpu.vector_load %arg10[%get3A_334, %get3A_335] {strides = array<i32>} : memref<4x3072xf32, #tpu.memory_space<vmem>>, vector<16xf32>,
      %mul3A_337 = arith.mulf %gather3A_62, %get3A_336 : vector<16xf32>
      %add3A_338 = arith.constant 1024 : i32
      %add3A_339 = arith.addi %add3A_338, %mul3A_332 : i32
      %get3A_340 = arith.constant 0 : i32
      %get3A_341 = arith.index_cast %get3A_340 : i32 to index
      %get3A_342 = arith.index_cast %add3A_339 : i32 to index
      %get3A_343 = tpu.vector_load %arg10[%get3A_341, %get3A_342] {strides = array<i32>} : memref<4x3072xf32, #tpu.memory_space<vmem>>, vector<16xf32>,
      %mul3A_344 = arith.mulf %gather3A_65, %get3A_343 : vector<16xf32>
      %add3A_345 = arith.constant 2048 : i32
      %add3A_346 = arith.addi %add3A_345, %mul3A_332 : i32
      %get3A_347 = arith.constant 0 : i32
      %get3A_348 = arith.index_cast %get3A_347 : i32 to index
      %get3A_349 = arith.index_cast %add3A_346 : i32 to index
      %get3A_350 = tpu.vector_load %arg10[%get3A_348, %get3A_349] {strides = array<i32>} : memref<4x3072xf32, #tpu.memory_space<vmem>>, vector<16xf32>,
      %mul3A_351 = arith.mulf %gather3A_68, %get3A_350 : vector<16xf32>
      %add3A_352 = arith.addf %mul3A_337, %mul3A_344 : vector<16xf32>
      %get3A_353 = arith.constant 0 : i32
      %get3A_354 = arith.index_cast %get3A_353 : i32 to index
      %get3A_355 = arith.index_cast %mul3A_332 : i32 to index
      %get3A_356 = tpu.vector_load %arg11[%get3A_354, %get3A_355] {strides = array<i32>} : memref<4x1024xf32, #tpu.memory_space<vmem>>, vector<16xf32>,
      %add3A_357 = arith.addf %mul3A_351, %get3A_356 : vector<16xf32>
      %add3A_358 = arith.addf %add3A_352, %add3A_357 : vector<16xf32>
      %swap3A_359 = arith.constant 0 : i32
      %swap3A_360 = arith.index_cast %swap3A_359 : i32 to index
      %swap3A_361 = arith.index_cast %mul3A_332 : i32 to index
      %swap3A_362 = tpu.vector_load %arg12[%swap3A_360, %swap3A_361] {strides = array<i32>} : memref<4x1024xf32, #tpu.memory_space<vmem>>, vector<16xf32>,
      tpu.vector_store %arg12[%swap3A_360, %swap3A_361], %add3A_358 {strides = array<i32>} : memref<4x1024xf32, #tpu.memory_space<vmem>>, vector<16xf32>,
      %scan3A_363 = arith.constant 7 : i32
      %scan3A_364 = arith.addi %scan3A_128, %scan3A_363 : i32
      %mul3A_365 = arith.constant 16 : i32
      %mul3A_366 = arith.muli %scan3A_364, %mul3A_365 : i32
      %get3A_367 = arith.constant 0 : i32
      %get3A_368 = arith.index_cast %get3A_367 : i32 to index
      %get3A_369 = arith.index_cast %mul3A_366 : i32 to index
      %get3A_370 = tpu.vector_load %arg10[%get3A_368, %get3A_369] {strides = array<i32>} : memref<4x3072xf32, #tpu.memory_space<vmem>>, vector<16xf32>,
      %mul3A_371 = arith.mulf %gather3A_62, %get3A_370 : vector<16xf32>
      %add3A_372 = arith.constant 1024 : i32
      %add3A_373 = arith.addi %add3A_372, %mul3A_366 : i32
      %get3A_374 = arith.constant 0 : i32
      %get3A_375 = arith.index_cast %get3A_374 : i32 to index
      %get3A_376 = arith.index_cast %add3A_373 : i32 to index
      %get3A_377 = tpu.vector_load %arg10[%get3A_375, %get3A_376] {strides = array<i32>} : memref<4x3072xf32, #tpu.memory_space<vmem>>, vector<16xf32>,
      %mul3A_378 = arith.mulf %gather3A_65, %get3A_377 : vector<16xf32>
      %add3A_379 = arith.constant 2048 : i32
      %add3A_380 = arith.addi %add3A_379, %mul3A_366 : i32
      %get3A_381 = arith.constant 0 : i32
      %get3A_382 = arith.index_cast %get3A_381 : i32 to index
      %get3A_383 = arith.index_cast %add3A_380 : i32 to index
      %get3A_384 = tpu.vector_load %arg10[%get3A_382, %get3A_383] {strides = array<i32>} : memref<4x3072xf32, #tpu.memory_space<vmem>>, vector<16xf32>,
      %mul3A_385 = arith.mulf %gather3A_68, %get3A_384 : vector<16xf32>
      %add3A_386 = arith.addf %mul3A_371, %mul3A_378 : vector<16xf32>
      %get3A_387 = arith.constant 0 : i32
      %get3A_388 = arith.index_cast %get3A_387 : i32 to index
      %get3A_389 = arith.index_cast %mul3A_366 : i32 to index
      %get3A_390 = tpu.vector_load %arg11[%get3A_388, %get3A_389] {strides = array<i32>} : memref<4x1024xf32, #tpu.memory_space<vmem>>, vector<16xf32>,
      %add3A_391 = arith.addf %mul3A_385, %get3A_390 : vector<16xf32>
      %add3A_392 = arith.addf %add3A_386, %add3A_391 : vector<16xf32>
      %swap3A_393 = arith.constant 0 : i32
      %swap3A_394 = arith.index_cast %swap3A_393 : i32 to index
      %swap3A_395 = arith.index_cast %mul3A_366 : i32 to index
      %swap3A_396 = tpu.vector_load %arg12[%swap3A_394, %swap3A_395] {strides = array<i32>} : memref<4x1024xf32, #tpu.memory_space<vmem>>, vector<16xf32>,
      tpu.vector_store %arg12[%swap3A_394, %swap3A_395], %add3A_392 {strides = array<i32>} : memref<4x1024xf32, #tpu.memory_space<vmem>>, vector<16xf32>,
    }
    %scan3A_73 = arith.constant 64 : i32
    %add3A_74 = arith.constant 1 : i32
    %add3A_75 = arith.addi %mul3A_2, %add3A_74 : i32
    %broadcast_in_dim3A_76 = vector.broadcast %add3A_75 : i32 to vector<16xi32>
    %broadcast_in_dim3A_77 = arith.constant 0 : i32
    %broadcast_in_dim3A_78 = vector.broadcast %broadcast_in_dim3A_77 : i32 to vector<16xi32>
    %gather3A_79 = tpu.vector_load_idx %arg7[%broadcast_in_dim3A_78, %broadcast_in_dim3A_76] : memref<3x256xf32, #tpu.memory_space<vmem>>[vector<16xi32>, vector<16xi32>], vector<16xf32>,
    %broadcast_in_dim3A_80 = arith.constant 1 : i32
    %broadcast_in_dim3A_81 = vector.broadcast %broadcast_in_dim3A_80 : i32 to vector<16xi32>
    %gather3A_82 = tpu.vector_load_idx %arg7[%broadcast_in_dim3A_81, %broadcast_in_dim3A_76] : memref<3x256xf32, #tpu.memory_space<vmem>>[vector<16xi32>, vector<16xi32>], vector<16xf32>,
    %broadcast_in_dim3A_83 = arith.constant 2 : i32
    %broadcast_in_dim3A_84 = vector.broadcast %broadcast_in_dim3A_83 : i32 to vector<16xi32>
    %gather3A_85 = tpu.vector_load_idx %arg7[%broadcast_in_dim3A_84, %broadcast_in_dim3A_76] : memref<3x256xf32, #tpu.memory_space<vmem>>[vector<16xi32>, vector<16xi32>], vector<16xf32>,
    %scan3A_86 = arith.constant 0 : i32
    %scan3A_87 = arith.constant 0 : i32
    %scan3A_88 = arith.constant 64 : i32
    %scan3A_89 = arith.addi %scan3A_87, %scan3A_88 : i32
    %scan3A_90 = arith.constant 8 : i32
    scf.for %scan3A_128 = %scan3A_87 to %scan3A_89 step %scan3A_90  : i32 {
      %mul3A_129 = arith.constant 16 : i32
      %mul3A_130 = arith.muli %scan3A_128, %mul3A_129 : i32
      %get3A = arith.constant 1 : i32
      %get3A_131 = arith.index_cast %get3A : i32 to index
      %get3A_132 = arith.index_cast %mul3A_130 : i32 to index
      %get3A_133 = tpu.vector_load %arg10[%get3A_131, %get3A_132] {strides = array<i32>} : memref<4x3072xf32, #tpu.memory_space<vmem>>, vector<16xf32>,
      %mul3A_134 = arith.mulf %gather3A_79, %get3A_133 : vector<16xf32>
      %add3A_135 = arith.constant 1024 : i32
      %add3A_136 = arith.addi %add3A_135, %mul3A_130 : i32
      %get3A_137 = arith.constant 1 : i32
      %get3A_138 = arith.index_cast %get3A_137 : i32 to index
      %get3A_139 = arith.index_cast %add3A_136 : i32 to index
      %get3A_140 = tpu.vector_load %arg10[%get3A_138, %get3A_139] {strides = array<i32>} : memref<4x3072xf32, #tpu.memory_space<vmem>>, vector<16xf32>,
      %mul3A_141 = arith.mulf %gather3A_82, %get3A_140 : vector<16xf32>
      %add3A_142 = arith.constant 2048 : i32
      %add3A_143 = arith.addi %add3A_142, %mul3A_130 : i32
      %get3A_144 = arith.constant 1 : i32
      %get3A_145 = arith.index_cast %get3A_144 : i32 to index
      %get3A_146 = arith.index_cast %add3A_143 : i32 to index
      %get3A_147 = tpu.vector_load %arg10[%get3A_145, %get3A_146] {strides = array<i32>} : memref<4x3072xf32, #tpu.memory_space<vmem>>, vector<16xf32>,
      %mul3A_148 = arith.mulf %gather3A_85, %get3A_147 : vector<16xf32>
      %add3A_149 = arith.addf %mul3A_134, %mul3A_141 : vector<16xf32>
      %get3A_150 = arith.constant 1 : i32
      %get3A_151 = arith.index_cast %get3A_150 : i32 to index
      %get3A_152 = arith.index_cast %mul3A_130 : i32 to index
      %get3A_153 = tpu.vector_load %arg11[%get3A_151, %get3A_152] {strides = array<i32>} : memref<4x1024xf32, #tpu.memory_space<vmem>>, vector<16xf32>,
      %add3A_154 = arith.addf %mul3A_148, %get3A_153 : vector<16xf32>
      %add3A_155 = arith.addf %add3A_149, %add3A_154 : vector<16xf32>
      %swap3A = arith.constant 1 : i32
      %swap3A_156 = arith.index_cast %swap3A : i32 to index
      %swap3A_157 = arith.index_cast %mul3A_130 : i32 to index
      %swap3A_158 = tpu.vector_load %arg12[%swap3A_156, %swap3A_157] {strides = array<i32>} : memref<4x1024xf32, #tpu.memory_space<vmem>>, vector<16xf32>,
      tpu.vector_store %arg12[%swap3A_156, %swap3A_157], %add3A_155 {strides = array<i32>} : memref<4x1024xf32, #tpu.memory_space<vmem>>, vector<16xf32>,
      %scan3A_159 = arith.constant 1 : i32
      %scan3A_160 = arith.addi %scan3A_128, %scan3A_159 : i32
      %mul3A_161 = arith.constant 16 : i32
      %mul3A_162 = arith.muli %scan3A_160, %mul3A_161 : i32
      %get3A_163 = arith.constant 1 : i32
      %get3A_164 = arith.index_cast %get3A_163 : i32 to index
      %get3A_165 = arith.index_cast %mul3A_162 : i32 to index
      %get3A_166 = tpu.vector_load %arg10[%get3A_164, %get3A_165] {strides = array<i32>} : memref<4x3072xf32, #tpu.memory_space<vmem>>, vector<16xf32>,
      %mul3A_167 = arith.mulf %gather3A_79, %get3A_166 : vector<16xf32>
      %add3A_168 = arith.constant 1024 : i32
      %add3A_169 = arith.addi %add3A_168, %mul3A_162 : i32
      %get3A_170 = arith.constant 1 : i32
      %get3A_171 = arith.index_cast %get3A_170 : i32 to index
      %get3A_172 = arith.index_cast %add3A_169 : i32 to index
      %get3A_173 = tpu.vector_load %arg10[%get3A_171, %get3A_172] {strides = array<i32>} : memref<4x3072xf32, #tpu.memory_space<vmem>>, vector<16xf32>,
      %mul3A_174 = arith.mulf %gather3A_82, %get3A_173 : vector<16xf32>
      %add3A_175 = arith.constant 2048 : i32
      %add3A_176 = arith.addi %add3A_175, %mul3A_162 : i32
      %get3A_177 = arith.constant 1 : i32
      %get3A_178 = arith.index_cast %get3A_177 : i32 to index
      %get3A_179 = arith.index_cast %add3A_176 : i32 to index
      %get3A_180 = tpu.vector_load %arg10[%get3A_178, %get3A_179] {strides = array<i32>} : memref<4x3072xf32, #tpu.memory_space<vmem>>, vector<16xf32>,
      %mul3A_181 = arith.mulf %gather3A_85, %get3A_180 : vector<16xf32>
      %add3A_182 = arith.addf %mul3A_167, %mul3A_174 : vector<16xf32>
      %get3A_183 = arith.constant 1 : i32
      %get3A_184 = arith.index_cast %get3A_183 : i32 to index
      %get3A_185 = arith.index_cast %mul3A_162 : i32 to index
      %get3A_186 = tpu.vector_load %arg11[%get3A_184, %get3A_185] {strides = array<i32>} : memref<4x1024xf32, #tpu.memory_space<vmem>>, vector<16xf32>,
      %add3A_187 = arith.addf %mul3A_181, %get3A_186 : vector<16xf32>
      %add3A_188 = arith.addf %add3A_182, %add3A_187 : vector<16xf32>
      %swap3A_189 = arith.constant 1 : i32
      %swap3A_190 = arith.index_cast %swap3A_189 : i32 to index
      %swap3A_191 = arith.index_cast %mul3A_162 : i32 to index
      %swap3A_192 = tpu.vector_load %arg12[%swap3A_190, %swap3A_191] {strides = array<i32>} : memref<4x1024xf32, #tpu.memory_space<vmem>>, vector<16xf32>,
      tpu.vector_store %arg12[%swap3A_190, %swap3A_191], %add3A_188 {strides = array<i32>} : memref<4x1024xf32, #tpu.memory_space<vmem>>, vector<16xf32>,
      %scan3A_193 = arith.constant 2 : i32
      %scan3A_194 = arith.addi %scan3A_128, %scan3A_193 : i32
      %mul3A_195 = arith.constant 16 : i32
      %mul3A_196 = arith.muli %scan3A_194, %mul3A_195 : i32
      %get3A_197 = arith.constant 1 : i32
      %get3A_198 = arith.index_cast %get3A_197 : i32 to index
      %get3A_199 = arith.index_cast %mul3A_196 : i32 to index
      %get3A_200 = tpu.vector_load %arg10[%get3A_198, %get3A_199] {strides = array<i32>} : memref<4x3072xf32, #tpu.memory_space<vmem>>, vector<16xf32>,
      %mul3A_201 = arith.mulf %gather3A_79, %get3A_200 : vector<16xf32>
      %add3A_202 = arith.constant 1024 : i32
      %add3A_203 = arith.addi %add3A_202, %mul3A_196 : i32
      %get3A_204 = arith.constant 1 : i32
      %get3A_205 = arith.index_cast %get3A_204 : i32 to index
      %get3A_206 = arith.index_cast %add3A_203 : i32 to index
      %get3A_207 = tpu.vector_load %arg10[%get3A_205, %get3A_206] {strides = array<i32>} : memref<4x3072xf32, #tpu.memory_space<vmem>>, vector<16xf32>,
      %mul3A_208 = arith.mulf %gather3A_82, %get3A_207 : vector<16xf32>
      %add3A_209 = arith.constant 2048 : i32
      %add3A_210 = arith.addi %add3A_209, %mul3A_196 : i32
      %get3A_211 = arith.constant 1 : i32
      %get3A_212 = arith.index_cast %get3A_211 : i32 to index
      %get3A_213 = arith.index_cast %add3A_210 : i32 to index
      %get3A_214 = tpu.vector_load %arg10[%get3A_212, %get3A_213] {strides = array<i32>} : memref<4x3072xf32, #tpu.memory_space<vmem>>, vector<16xf32>,
      %mul3A_215 = arith.mulf %gather3A_85, %get3A_214 : vector<16xf32>
      %add3A_216 = arith.addf %mul3A_201, %mul3A_208 : vector<16xf32>
      %get3A_217 = arith.constant 1 : i32
      %get3A_218 = arith.index_cast %get3A_217 : i32 to index
      %get3A_219 = arith.index_cast %mul3A_196 : i32 to index
      %get3A_220 = tpu.vector_load %arg11[%get3A_218, %get3A_219] {strides = array<i32>} : memref<4x1024xf32, #tpu.memory_space<vmem>>, vector<16xf32>,
      %add3A_221 = arith.addf %mul3A_215, %get3A_220 : vector<16xf32>
      %add3A_222 = arith.addf %add3A_216, %add3A_221 : vector<16xf32>
      %swap3A_223 = arith.constant 1 : i32
      %swap3A_224 = arith.index_cast %swap3A_223 : i32 to index
      %swap3A_225 = arith.index_cast %mul3A_196 : i32 to index
      %swap3A_226 = tpu.vector_load %arg12[%swap3A_224, %swap3A_225] {strides = array<i32>} : memref<4x1024xf32, #tpu.memory_space<vmem>>, vector<16xf32>,
      tpu.vector_store %arg12[%swap3A_224, %swap3A_225], %add3A_222 {strides = array<i32>} : memref<4x1024xf32, #tpu.memory_space<vmem>>, vector<16xf32>,
      %scan3A_227 = arith.constant 3 : i32
      %scan3A_228 = arith.addi %scan3A_128, %scan3A_227 : i32
      %mul3A_229 = arith.constant 16 : i32
      %mul3A_230 = arith.muli %scan3A_228, %mul3A_229 : i32
      %get3A_231 = arith.constant 1 : i32
      %get3A_232 = arith.index_cast %get3A_231 : i32 to index
      %get3A_233 = arith.index_cast %mul3A_230 : i32 to index
      %get3A_234 = tpu.vector_load %arg10[%get3A_232, %get3A_233] {strides = array<i32>} : memref<4x3072xf32, #tpu.memory_space<vmem>>, vector<16xf32>,
      %mul3A_235 = arith.mulf %gather3A_79, %get3A_234 : vector<16xf32>
      %add3A_236 = arith.constant 1024 : i32
      %add3A_237 = arith.addi %add3A_236, %mul3A_230 : i32
      %get3A_238 = arith.constant 1 : i32
      %get3A_239 = arith.index_cast %get3A_238 : i32 to index
      %get3A_240 = arith.index_cast %add3A_237 : i32 to index
      %get3A_241 = tpu.vector_load %arg10[%get3A_239, %get3A_240] {strides = array<i32>} : memref<4x3072xf32, #tpu.memory_space<vmem>>, vector<16xf32>,
      %mul3A_242 = arith.mulf %gather3A_82, %get3A_241 : vector<16xf32>
      %add3A_243 = arith.constant 2048 : i32
      %add3A_244 = arith.addi %add3A_243, %mul3A_230 : i32
      %get3A_245 = arith.constant 1 : i32
      %get3A_246 = arith.index_cast %get3A_245 : i32 to index
      %get3A_247 = arith.index_cast %add3A_244 : i32 to index
      %get3A_248 = tpu.vector_load %arg10[%get3A_246, %get3A_247] {strides = array<i32>} : memref<4x3072xf32, #tpu.memory_space<vmem>>, vector<16xf32>,
      %mul3A_249 = arith.mulf %gather3A_85, %get3A_248 : vector<16xf32>
      %add3A_250 = arith.addf %mul3A_235, %mul3A_242 : vector<16xf32>
      %get3A_251 = arith.constant 1 : i32
      %get3A_252 = arith.index_cast %get3A_251 : i32 to index
      %get3A_253 = arith.index_cast %mul3A_230 : i32 to index
      %get3A_254 = tpu.vector_load %arg11[%get3A_252, %get3A_253] {strides = array<i32>} : memref<4x1024xf32, #tpu.memory_space<vmem>>, vector<16xf32>,
      %add3A_255 = arith.addf %mul3A_249, %get3A_254 : vector<16xf32>
      %add3A_256 = arith.addf %add3A_250, %add3A_255 : vector<16xf32>
      %swap3A_257 = arith.constant 1 : i32
      %swap3A_258 = arith.index_cast %swap3A_257 : i32 to index
      %swap3A_259 = arith.index_cast %mul3A_230 : i32 to index
      %swap3A_260 = tpu.vector_load %arg12[%swap3A_258, %swap3A_259] {strides = array<i32>} : memref<4x1024xf32, #tpu.memory_space<vmem>>, vector<16xf32>,
      tpu.vector_store %arg12[%swap3A_258, %swap3A_259], %add3A_256 {strides = array<i32>} : memref<4x1024xf32, #tpu.memory_space<vmem>>, vector<16xf32>,
      %scan3A_261 = arith.constant 4 : i32
      %scan3A_262 = arith.addi %scan3A_128, %scan3A_261 : i32
      %mul3A_263 = arith.constant 16 : i32
      %mul3A_264 = arith.muli %scan3A_262, %mul3A_263 : i32
      %get3A_265 = arith.constant 1 : i32
      %get3A_266 = arith.index_cast %get3A_265 : i32 to index
      %get3A_267 = arith.index_cast %mul3A_264 : i32 to index
      %get3A_268 = tpu.vector_load %arg10[%get3A_266, %get3A_267] {strides = array<i32>} : memref<4x3072xf32, #tpu.memory_space<vmem>>, vector<16xf32>,
      %mul3A_269 = arith.mulf %gather3A_79, %get3A_268 : vector<16xf32>
      %add3A_270 = arith.constant 1024 : i32
      %add3A_271 = arith.addi %add3A_270, %mul3A_264 : i32
      %get3A_272 = arith.constant 1 : i32
      %get3A_273 = arith.index_cast %get3A_272 : i32 to index
      %get3A_274 = arith.index_cast %add3A_271 : i32 to index
      %get3A_275 = tpu.vector_load %arg10[%get3A_273, %get3A_274] {strides = array<i32>} : memref<4x3072xf32, #tpu.memory_space<vmem>>, vector<16xf32>,
      %mul3A_276 = arith.mulf %gather3A_82, %get3A_275 : vector<16xf32>
      %add3A_277 = arith.constant 2048 : i32
      %add3A_278 = arith.addi %add3A_277, %mul3A_264 : i32
      %get3A_279 = arith.constant 1 : i32
      %get3A_280 = arith.index_cast %get3A_279 : i32 to index
      %get3A_281 = arith.index_cast %add3A_278 : i32 to index
      %get3A_282 = tpu.vector_load %arg10[%get3A_280, %get3A_281] {strides = array<i32>} : memref<4x3072xf32, #tpu.memory_space<vmem>>, vector<16xf32>,
      %mul3A_283 = arith.mulf %gather3A_85, %get3A_282 : vector<16xf32>
      %add3A_284 = arith.addf %mul3A_269, %mul3A_276 : vector<16xf32>
      %get3A_285 = arith.constant 1 : i32
      %get3A_286 = arith.index_cast %get3A_285 : i32 to index
      %get3A_287 = arith.index_cast %mul3A_264 : i32 to index
      %get3A_288 = tpu.vector_load %arg11[%get3A_286, %get3A_287] {strides = array<i32>} : memref<4x1024xf32, #tpu.memory_space<vmem>>, vector<16xf32>,
      %add3A_289 = arith.addf %mul3A_283, %get3A_288 : vector<16xf32>
      %add3A_290 = arith.addf %add3A_284, %add3A_289 : vector<16xf32>
      %swap3A_291 = arith.constant 1 : i32
      %swap3A_292 = arith.index_cast %swap3A_291 : i32 to index
      %swap3A_293 = arith.index_cast %mul3A_264 : i32 to index
      %swap3A_294 = tpu.vector_load %arg12[%swap3A_292, %swap3A_293] {strides = array<i32>} : memref<4x1024xf32, #tpu.memory_space<vmem>>, vector<16xf32>,
      tpu.vector_store %arg12[%swap3A_292, %swap3A_293], %add3A_290 {strides = array<i32>} : memref<4x1024xf32, #tpu.memory_space<vmem>>, vector<16xf32>,
      %scan3A_295 = arith.constant 5 : i32
      %scan3A_296 = arith.addi %scan3A_128, %scan3A_295 : i32
      %mul3A_297 = arith.constant 16 : i32
      %mul3A_298 = arith.muli %scan3A_296, %mul3A_297 : i32
      %get3A_299 = arith.constant 1 : i32
      %get3A_300 = arith.index_cast %get3A_299 : i32 to index
      %get3A_301 = arith.index_cast %mul3A_298 : i32 to index
      %get3A_302 = tpu.vector_load %arg10[%get3A_300, %get3A_301] {strides = array<i32>} : memref<4x3072xf32, #tpu.memory_space<vmem>>, vector<16xf32>,
      %mul3A_303 = arith.mulf %gather3A_79, %get3A_302 : vector<16xf32>
      %add3A_304 = arith.constant 1024 : i32
      %add3A_305 = arith.addi %add3A_304, %mul3A_298 : i32
      %get3A_306 = arith.constant 1 : i32
      %get3A_307 = arith.index_cast %get3A_306 : i32 to index
      %get3A_308 = arith.index_cast %add3A_305 : i32 to index
      %get3A_309 = tpu.vector_load %arg10[%get3A_307, %get3A_308] {strides = array<i32>} : memref<4x3072xf32, #tpu.memory_space<vmem>>, vector<16xf32>,
      %mul3A_310 = arith.mulf %gather3A_82, %get3A_309 : vector<16xf32>
      %add3A_311 = arith.constant 2048 : i32
      %add3A_312 = arith.addi %add3A_311, %mul3A_298 : i32
      %get3A_313 = arith.constant 1 : i32
      %get3A_314 = arith.index_cast %get3A_313 : i32 to index
      %get3A_315 = arith.index_cast %add3A_312 : i32 to index
      %get3A_316 = tpu.vector_load %arg10[%get3A_314, %get3A_315] {strides = array<i32>} : memref<4x3072xf32, #tpu.memory_space<vmem>>, vector<16xf32>,
      %mul3A_317 = arith.mulf %gather3A_85, %get3A_316 : vector<16xf32>
      %add3A_318 = arith.addf %mul3A_303, %mul3A_310 : vector<16xf32>
      %get3A_319 = arith.constant 1 : i32
      %get3A_320 = arith.index_cast %get3A_319 : i32 to index
      %get3A_321 = arith.index_cast %mul3A_298 : i32 to index
      %get3A_322 = tpu.vector_load %arg11[%get3A_320, %get3A_321] {strides = array<i32>} : memref<4x1024xf32, #tpu.memory_space<vmem>>, vector<16xf32>,
      %add3A_323 = arith.addf %mul3A_317, %get3A_322 : vector<16xf32>
      %add3A_324 = arith.addf %add3A_318, %add3A_323 : vector<16xf32>
      %swap3A_325 = arith.constant 1 : i32
      %swap3A_326 = arith.index_cast %swap3A_325 : i32 to index
      %swap3A_327 = arith.index_cast %mul3A_298 : i32 to index
      %swap3A_328 = tpu.vector_load %arg12[%swap3A_326, %swap3A_327] {strides = array<i32>} : memref<4x1024xf32, #tpu.memory_space<vmem>>, vector<16xf32>,
      tpu.vector_store %arg12[%swap3A_326, %swap3A_327], %add3A_324 {strides = array<i32>} : memref<4x1024xf32, #tpu.memory_space<vmem>>, vector<16xf32>,
      %scan3A_329 = arith.constant 6 : i32
      %scan3A_330 = arith.addi %scan3A_128, %scan3A_329 : i32
      %mul3A_331 = arith.constant 16 : i32
      %mul3A_332 = arith.muli %scan3A_330, %mul3A_331 : i32
      %get3A_333 = arith.constant 1 : i32
      %get3A_334 = arith.index_cast %get3A_333 : i32 to index
      %get3A_335 = arith.index_cast %mul3A_332 : i32 to index
      %get3A_336 = tpu.vector_load %arg10[%get3A_334, %get3A_335] {strides = array<i32>} : memref<4x3072xf32, #tpu.memory_space<vmem>>, vector<16xf32>,
      %mul3A_337 = arith.mulf %gather3A_79, %get3A_336 : vector<16xf32>
      %add3A_338 = arith.constant 1024 : i32
      %add3A_339 = arith.addi %add3A_338, %mul3A_332 : i32
      %get3A_340 = arith.constant 1 : i32
      %get3A_341 = arith.index_cast %get3A_340 : i32 to index
      %get3A_342 = arith.index_cast %add3A_339 : i32 to index
      %get3A_343 = tpu.vector_load %arg10[%get3A_341, %get3A_342] {strides = array<i32>} : memref<4x3072xf32, #tpu.memory_space<vmem>>, vector<16xf32>,
      %mul3A_344 = arith.mulf %gather3A_82, %get3A_343 : vector<16xf32>
      %add3A_345 = arith.constant 2048 : i32
      %add3A_346 = arith.addi %add3A_345, %mul3A_332 : i32
      %get3A_347 = arith.constant 1 : i32
      %get3A_348 = arith.index_cast %get3A_347 : i32 to index
      %get3A_349 = arith.index_cast %add3A_346 : i32 to index
      %get3A_350 = tpu.vector_load %arg10[%get3A_348, %get3A_349] {strides = array<i32>} : memref<4x3072xf32, #tpu.memory_space<vmem>>, vector<16xf32>,
      %mul3A_351 = arith.mulf %gather3A_85, %get3A_350 : vector<16xf32>
      %add3A_352 = arith.addf %mul3A_337, %mul3A_344 : vector<16xf32>
      %get3A_353 = arith.constant 1 : i32
      %get3A_354 = arith.index_cast %get3A_353 : i32 to index
      %get3A_355 = arith.index_cast %mul3A_332 : i32 to index
      %get3A_356 = tpu.vector_load %arg11[%get3A_354, %get3A_355] {strides = array<i32>} : memref<4x1024xf32, #tpu.memory_space<vmem>>, vector<16xf32>,
      %add3A_357 = arith.addf %mul3A_351, %get3A_356 : vector<16xf32>
      %add3A_358 = arith.addf %add3A_352, %add3A_357 : vector<16xf32>
      %swap3A_359 = arith.constant 1 : i32
      %swap3A_360 = arith.index_cast %swap3A_359 : i32 to index
      %swap3A_361 = arith.index_cast %mul3A_332 : i32 to index
      %swap3A_362 = tpu.vector_load %arg12[%swap3A_360, %swap3A_361] {strides = array<i32>} : memref<4x1024xf32, #tpu.memory_space<vmem>>, vector<16xf32>,
      tpu.vector_store %arg12[%swap3A_360, %swap3A_361], %add3A_358 {strides = array<i32>} : memref<4x1024xf32, #tpu.memory_space<vmem>>, vector<16xf32>,
      %scan3A_363 = arith.constant 7 : i32
      %scan3A_364 = arith.addi %scan3A_128, %scan3A_363 : i32
      %mul3A_365 = arith.constant 16 : i32
      %mul3A_366 = arith.muli %scan3A_364, %mul3A_365 : i32
      %get3A_367 = arith.constant 1 : i32
      %get3A_368 = arith.index_cast %get3A_367 : i32 to index
      %get3A_369 = arith.index_cast %mul3A_366 : i32 to index
      %get3A_370 = tpu.vector_load %arg10[%get3A_368, %get3A_369] {strides = array<i32>} : memref<4x3072xf32, #tpu.memory_space<vmem>>, vector<16xf32>,
      %mul3A_371 = arith.mulf %gather3A_79, %get3A_370 : vector<16xf32>
      %add3A_372 = arith.constant 1024 : i32
      %add3A_373 = arith.addi %add3A_372, %mul3A_366 : i32
      %get3A_374 = arith.constant 1 : i32
      %get3A_375 = arith.index_cast %get3A_374 : i32 to index
      %get3A_376 = arith.index_cast %add3A_373 : i32 to index
      %get3A_377 = tpu.vector_load %arg10[%get3A_375, %get3A_376] {strides = array<i32>} : memref<4x3072xf32, #tpu.memory_space<vmem>>, vector<16xf32>,
      %mul3A_378 = arith.mulf %gather3A_82, %get3A_377 : vector<16xf32>
      %add3A_379 = arith.constant 2048 : i32
      %add3A_380 = arith.addi %add3A_379, %mul3A_366 : i32
      %get3A_381 = arith.constant 1 : i32
      %get3A_382 = arith.index_cast %get3A_381 : i32 to index
      %get3A_383 = arith.index_cast %add3A_380 : i32 to index
      %get3A_384 = tpu.vector_load %arg10[%get3A_382, %get3A_383] {strides = array<i32>} : memref<4x3072xf32, #tpu.memory_space<vmem>>, vector<16xf32>,
      %mul3A_385 = arith.mulf %gather3A_85, %get3A_384 : vector<16xf32>
      %add3A_386 = arith.addf %mul3A_371, %mul3A_378 : vector<16xf32>
      %get3A_387 = arith.constant 1 : i32
      %get3A_388 = arith.index_cast %get3A_387 : i32 to index
      %get3A_389 = arith.index_cast %mul3A_366 : i32 to index
      %get3A_390 = tpu.vector_load %arg11[%get3A_388, %get3A_389] {strides = array<i32>} : memref<4x1024xf32, #tpu.memory_space<vmem>>, vector<16xf32>,
      %add3A_391 = arith.addf %mul3A_385, %get3A_390 : vector<16xf32>
      %add3A_392 = arith.addf %add3A_386, %add3A_391 : vector<16xf32>
      %swap3A_393 = arith.constant 1 : i32
      %swap3A_394 = arith.index_cast %swap3A_393 : i32 to index
      %swap3A_395 = arith.index_cast %mul3A_366 : i32 to index
      %swap3A_396 = tpu.vector_load %arg12[%swap3A_394, %swap3A_395] {strides = array<i32>} : memref<4x1024xf32, #tpu.memory_space<vmem>>, vector<16xf32>,
      tpu.vector_store %arg12[%swap3A_394, %swap3A_395], %add3A_392 {strides = array<i32>} : memref<4x1024xf32, #tpu.memory_space<vmem>>, vector<16xf32>,
    }
    %scan3A_91 = arith.constant 64 : i32
    %add3A_92 = arith.constant 2 : i32
    %add3A_93 = arith.addi %mul3A_2, %add3A_92 : i32
    %broadcast_in_dim3A_94 = vector.broadcast %add3A_93 : i32 to vector<16xi32>
    %broadcast_in_dim3A_95 = arith.constant 0 : i32
    %broadcast_in_dim3A_96 = vector.broadcast %broadcast_in_dim3A_95 : i32 to vector<16xi32>
    %gather3A_97 = tpu.vector_load_idx %arg7[%broadcast_in_dim3A_96, %broadcast_in_dim3A_94] : memref<3x256xf32, #tpu.memory_space<vmem>>[vector<16xi32>, vector<16xi32>], vector<16xf32>,
    %broadcast_in_dim3A_98 = arith.constant 1 : i32
    %broadcast_in_dim3A_99 = vector.broadcast %broadcast_in_dim3A_98 : i32 to vector<16xi32>
    %gather3A_100 = tpu.vector_load_idx %arg7[%broadcast_in_dim3A_99, %broadcast_in_dim3A_94] : memref<3x256xf32, #tpu.memory_space<vmem>>[vector<16xi32>, vector<16xi32>], vector<16xf32>,
    %broadcast_in_dim3A_101 = arith.constant 2 : i32
    %broadcast_in_dim3A_102 = vector.broadcast %broadcast_in_dim3A_101 : i32 to vector<16xi32>
    %gather3A_103 = tpu.vector_load_idx %arg7[%broadcast_in_dim3A_102, %broadcast_in_dim3A_94] : memref<3x256xf32, #tpu.memory_space<vmem>>[vector<16xi32>, vector<16xi32>], vector<16xf32>,
    %scan3A_104 = arith.constant 0 : i32
    %scan3A_105 = arith.constant 0 : i32
    %scan3A_106 = arith.constant 64 : i32
    %scan3A_107 = arith.addi %scan3A_105, %scan3A_106 : i32
    %scan3A_108 = arith.constant 8 : i32
    scf.for %scan3A_128 = %scan3A_105 to %scan3A_107 step %scan3A_108  : i32 {
      %mul3A_129 = arith.constant 16 : i32
      %mul3A_130 = arith.muli %scan3A_128, %mul3A_129 : i32
      %get3A = arith.constant 2 : i32
      %get3A_131 = arith.index_cast %get3A : i32 to index
      %get3A_132 = arith.index_cast %mul3A_130 : i32 to index
      %get3A_133 = tpu.vector_load %arg10[%get3A_131, %get3A_132] {strides = array<i32>} : memref<4x3072xf32, #tpu.memory_space<vmem>>, vector<16xf32>,
      %mul3A_134 = arith.mulf %gather3A_97, %get3A_133 : vector<16xf32>
      %add3A_135 = arith.constant 1024 : i32
      %add3A_136 = arith.addi %add3A_135, %mul3A_130 : i32
      %get3A_137 = arith.constant 2 : i32
      %get3A_138 = arith.index_cast %get3A_137 : i32 to index
      %get3A_139 = arith.index_cast %add3A_136 : i32 to index
      %get3A_140 = tpu.vector_load %arg10[%get3A_138, %get3A_139] {strides = array<i32>} : memref<4x3072xf32, #tpu.memory_space<vmem>>, vector<16xf32>,
      %mul3A_141 = arith.mulf %gather3A_100, %get3A_140 : vector<16xf32>
      %add3A_142 = arith.constant 2048 : i32
      %add3A_143 = arith.addi %add3A_142, %mul3A_130 : i32
      %get3A_144 = arith.constant 2 : i32
      %get3A_145 = arith.index_cast %get3A_144 : i32 to index
      %get3A_146 = arith.index_cast %add3A_143 : i32 to index
      %get3A_147 = tpu.vector_load %arg10[%get3A_145, %get3A_146] {strides = array<i32>} : memref<4x3072xf32, #tpu.memory_space<vmem>>, vector<16xf32>,
      %mul3A_148 = arith.mulf %gather3A_103, %get3A_147 : vector<16xf32>
      %add3A_149 = arith.addf %mul3A_134, %mul3A_141 : vector<16xf32>
      %get3A_150 = arith.constant 2 : i32
      %get3A_151 = arith.index_cast %get3A_150 : i32 to index
      %get3A_152 = arith.index_cast %mul3A_130 : i32 to index
      %get3A_153 = tpu.vector_load %arg11[%get3A_151, %get3A_152] {strides = array<i32>} : memref<4x1024xf32, #tpu.memory_space<vmem>>, vector<16xf32>,
      %add3A_154 = arith.addf %mul3A_148, %get3A_153 : vector<16xf32>
      %add3A_155 = arith.addf %add3A_149, %add3A_154 : vector<16xf32>
      %swap3A = arith.constant 2 : i32
      %swap3A_156 = arith.index_cast %swap3A : i32 to index
      %swap3A_157 = arith.index_cast %mul3A_130 : i32 to index
      %swap3A_158 = tpu.vector_load %arg12[%swap3A_156, %swap3A_157] {strides = array<i32>} : memref<4x1024xf32, #tpu.memory_space<vmem>>, vector<16xf32>,
      tpu.vector_store %arg12[%swap3A_156, %swap3A_157], %add3A_155 {strides = array<i32>} : memref<4x1024xf32, #tpu.memory_space<vmem>>, vector<16xf32>,
      %scan3A_159 = arith.constant 1 : i32
      %scan3A_160 = arith.addi %scan3A_128, %scan3A_159 : i32
      %mul3A_161 = arith.constant 16 : i32
      %mul3A_162 = arith.muli %scan3A_160, %mul3A_161 : i32
      %get3A_163 = arith.constant 2 : i32
      %get3A_164 = arith.index_cast %get3A_163 : i32 to index
      %get3A_165 = arith.index_cast %mul3A_162 : i32 to index
      %get3A_166 = tpu.vector_load %arg10[%get3A_164, %get3A_165] {strides = array<i32>} : memref<4x3072xf32, #tpu.memory_space<vmem>>, vector<16xf32>,
      %mul3A_167 = arith.mulf %gather3A_97, %get3A_166 : vector<16xf32>
      %add3A_168 = arith.constant 1024 : i32
      %add3A_169 = arith.addi %add3A_168, %mul3A_162 : i32
      %get3A_170 = arith.constant 2 : i32
      %get3A_171 = arith.index_cast %get3A_170 : i32 to index
      %get3A_172 = arith.index_cast %add3A_169 : i32 to index
      %get3A_173 = tpu.vector_load %arg10[%get3A_171, %get3A_172] {strides = array<i32>} : memref<4x3072xf32, #tpu.memory_space<vmem>>, vector<16xf32>,
      %mul3A_174 = arith.mulf %gather3A_100, %get3A_173 : vector<16xf32>
      %add3A_175 = arith.constant 2048 : i32
      %add3A_176 = arith.addi %add3A_175, %mul3A_162 : i32
      %get3A_177 = arith.constant 2 : i32
      %get3A_178 = arith.index_cast %get3A_177 : i32 to index
      %get3A_179 = arith.index_cast %add3A_176 : i32 to index
      %get3A_180 = tpu.vector_load %arg10[%get3A_178, %get3A_179] {strides = array<i32>} : memref<4x3072xf32, #tpu.memory_space<vmem>>, vector<16xf32>,
      %mul3A_181 = arith.mulf %gather3A_103, %get3A_180 : vector<16xf32>
      %add3A_182 = arith.addf %mul3A_167, %mul3A_174 : vector<16xf32>
      %get3A_183 = arith.constant 2 : i32
      %get3A_184 = arith.index_cast %get3A_183 : i32 to index
      %get3A_185 = arith.index_cast %mul3A_162 : i32 to index
      %get3A_186 = tpu.vector_load %arg11[%get3A_184, %get3A_185] {strides = array<i32>} : memref<4x1024xf32, #tpu.memory_space<vmem>>, vector<16xf32>,
      %add3A_187 = arith.addf %mul3A_181, %get3A_186 : vector<16xf32>
      %add3A_188 = arith.addf %add3A_182, %add3A_187 : vector<16xf32>
      %swap3A_189 = arith.constant 2 : i32
      %swap3A_190 = arith.index_cast %swap3A_189 : i32 to index
      %swap3A_191 = arith.index_cast %mul3A_162 : i32 to index
      %swap3A_192 = tpu.vector_load %arg12[%swap3A_190, %swap3A_191] {strides = array<i32>} : memref<4x1024xf32, #tpu.memory_space<vmem>>, vector<16xf32>,
      tpu.vector_store %arg12[%swap3A_190, %swap3A_191], %add3A_188 {strides = array<i32>} : memref<4x1024xf32, #tpu.memory_space<vmem>>, vector<16xf32>,
      %scan3A_193 = arith.constant 2 : i32
      %scan3A_194 = arith.addi %scan3A_128, %scan3A_193 : i32
      %mul3A_195 = arith.constant 16 : i32
      %mul3A_196 = arith.muli %scan3A_194, %mul3A_195 : i32
      %get3A_197 = arith.constant 2 : i32
      %get3A_198 = arith.index_cast %get3A_197 : i32 to index
      %get3A_199 = arith.index_cast %mul3A_196 : i32 to index
      %get3A_200 = tpu.vector_load %arg10[%get3A_198, %get3A_199] {strides = array<i32>} : memref<4x3072xf32, #tpu.memory_space<vmem>>, vector<16xf32>,
      %mul3A_201 = arith.mulf %gather3A_97, %get3A_200 : vector<16xf32>
      %add3A_202 = arith.constant 1024 : i32
      %add3A_203 = arith.addi %add3A_202, %mul3A_196 : i32
      %get3A_204 = arith.constant 2 : i32
      %get3A_205 = arith.index_cast %get3A_204 : i32 to index
      %get3A_206 = arith.index_cast %add3A_203 : i32 to index
      %get3A_207 = tpu.vector_load %arg10[%get3A_205, %get3A_206] {strides = array<i32>} : memref<4x3072xf32, #tpu.memory_space<vmem>>, vector<16xf32>,
      %mul3A_208 = arith.mulf %gather3A_100, %get3A_207 : vector<16xf32>
      %add3A_209 = arith.constant 2048 : i32
      %add3A_210 = arith.addi %add3A_209, %mul3A_196 : i32
      %get3A_211 = arith.constant 2 : i32
      %get3A_212 = arith.index_cast %get3A_211 : i32 to index
      %get3A_213 = arith.index_cast %add3A_210 : i32 to index
      %get3A_214 = tpu.vector_load %arg10[%get3A_212, %get3A_213] {strides = array<i32>} : memref<4x3072xf32, #tpu.memory_space<vmem>>, vector<16xf32>,
      %mul3A_215 = arith.mulf %gather3A_103, %get3A_214 : vector<16xf32>
      %add3A_216 = arith.addf %mul3A_201, %mul3A_208 : vector<16xf32>
      %get3A_217 = arith.constant 2 : i32
      %get3A_218 = arith.index_cast %get3A_217 : i32 to index
      %get3A_219 = arith.index_cast %mul3A_196 : i32 to index
      %get3A_220 = tpu.vector_load %arg11[%get3A_218, %get3A_219] {strides = array<i32>} : memref<4x1024xf32, #tpu.memory_space<vmem>>, vector<16xf32>,
      %add3A_221 = arith.addf %mul3A_215, %get3A_220 : vector<16xf32>
      %add3A_222 = arith.addf %add3A_216, %add3A_221 : vector<16xf32>
      %swap3A_223 = arith.constant 2 : i32
      %swap3A_224 = arith.index_cast %swap3A_223 : i32 to index
      %swap3A_225 = arith.index_cast %mul3A_196 : i32 to index
      %swap3A_226 = tpu.vector_load %arg12[%swap3A_224, %swap3A_225] {strides = array<i32>} : memref<4x1024xf32, #tpu.memory_space<vmem>>, vector<16xf32>,
      tpu.vector_store %arg12[%swap3A_224, %swap3A_225], %add3A_222 {strides = array<i32>} : memref<4x1024xf32, #tpu.memory_space<vmem>>, vector<16xf32>,
      %scan3A_227 = arith.constant 3 : i32
      %scan3A_228 = arith.addi %scan3A_128, %scan3A_227 : i32
      %mul3A_229 = arith.constant 16 : i32
      %mul3A_230 = arith.muli %scan3A_228, %mul3A_229 : i32
      %get3A_231 = arith.constant 2 : i32
      %get3A_232 = arith.index_cast %get3A_231 : i32 to index
      %get3A_233 = arith.index_cast %mul3A_230 : i32 to index
      %get3A_234 = tpu.vector_load %arg10[%get3A_232, %get3A_233] {strides = array<i32>} : memref<4x3072xf32, #tpu.memory_space<vmem>>, vector<16xf32>,
      %mul3A_235 = arith.mulf %gather3A_97, %get3A_234 : vector<16xf32>
      %add3A_236 = arith.constant 1024 : i32
      %add3A_237 = arith.addi %add3A_236, %mul3A_230 : i32
      %get3A_238 = arith.constant 2 : i32
      %get3A_239 = arith.index_cast %get3A_238 : i32 to index
      %get3A_240 = arith.index_cast %add3A_237 : i32 to index
      %get3A_241 = tpu.vector_load %arg10[%get3A_239, %get3A_240] {strides = array<i32>} : memref<4x3072xf32, #tpu.memory_space<vmem>>, vector<16xf32>,
      %mul3A_242 = arith.mulf %gather3A_100, %get3A_241 : vector<16xf32>
      %add3A_243 = arith.constant 2048 : i32
      %add3A_244 = arith.addi %add3A_243, %mul3A_230 : i32
      %get3A_245 = arith.constant 2 : i32
      %get3A_246 = arith.index_cast %get3A_245 : i32 to index
      %get3A_247 = arith.index_cast %add3A_244 : i32 to index
      %get3A_248 = tpu.vector_load %arg10[%get3A_246, %get3A_247] {strides = array<i32>} : memref<4x3072xf32, #tpu.memory_space<vmem>>, vector<16xf32>,
      %mul3A_249 = arith.mulf %gather3A_103, %get3A_248 : vector<16xf32>
      %add3A_250 = arith.addf %mul3A_235, %mul3A_242 : vector<16xf32>
      %get3A_251 = arith.constant 2 : i32
      %get3A_252 = arith.index_cast %get3A_251 : i32 to index
      %get3A_253 = arith.index_cast %mul3A_230 : i32 to index
      %get3A_254 = tpu.vector_load %arg11[%get3A_252, %get3A_253] {strides = array<i32>} : memref<4x1024xf32, #tpu.memory_space<vmem>>, vector<16xf32>,
      %add3A_255 = arith.addf %mul3A_249, %get3A_254 : vector<16xf32>
      %add3A_256 = arith.addf %add3A_250, %add3A_255 : vector<16xf32>
      %swap3A_257 = arith.constant 2 : i32
      %swap3A_258 = arith.index_cast %swap3A_257 : i32 to index
      %swap3A_259 = arith.index_cast %mul3A_230 : i32 to index
      %swap3A_260 = tpu.vector_load %arg12[%swap3A_258, %swap3A_259] {strides = array<i32>} : memref<4x1024xf32, #tpu.memory_space<vmem>>, vector<16xf32>,
      tpu.vector_store %arg12[%swap3A_258, %swap3A_259], %add3A_256 {strides = array<i32>} : memref<4x1024xf32, #tpu.memory_space<vmem>>, vector<16xf32>,
      %scan3A_261 = arith.constant 4 : i32
      %scan3A_262 = arith.addi %scan3A_128, %scan3A_261 : i32
      %mul3A_263 = arith.constant 16 : i32
      %mul3A_264 = arith.muli %scan3A_262, %mul3A_263 : i32
      %get3A_265 = arith.constant 2 : i32
      %get3A_266 = arith.index_cast %get3A_265 : i32 to index
      %get3A_267 = arith.index_cast %mul3A_264 : i32 to index
      %get3A_268 = tpu.vector_load %arg10[%get3A_266, %get3A_267] {strides = array<i32>} : memref<4x3072xf32, #tpu.memory_space<vmem>>, vector<16xf32>,
      %mul3A_269 = arith.mulf %gather3A_97, %get3A_268 : vector<16xf32>
      %add3A_270 = arith.constant 1024 : i32
      %add3A_271 = arith.addi %add3A_270, %mul3A_264 : i32
      %get3A_272 = arith.constant 2 : i32
      %get3A_273 = arith.index_cast %get3A_272 : i32 to index
      %get3A_274 = arith.index_cast %add3A_271 : i32 to index
      %get3A_275 = tpu.vector_load %arg10[%get3A_273, %get3A_274] {strides = array<i32>} : memref<4x3072xf32, #tpu.memory_space<vmem>>, vector<16xf32>,
      %mul3A_276 = arith.mulf %gather3A_100, %get3A_275 : vector<16xf32>
      %add3A_277 = arith.constant 2048 : i32
      %add3A_278 = arith.addi %add3A_277, %mul3A_264 : i32
      %get3A_279 = arith.constant 2 : i32
      %get3A_280 = arith.index_cast %get3A_279 : i32 to index
      %get3A_281 = arith.index_cast %add3A_278 : i32 to index
      %get3A_282 = tpu.vector_load %arg10[%get3A_280, %get3A_281] {strides = array<i32>} : memref<4x3072xf32, #tpu.memory_space<vmem>>, vector<16xf32>,
      %mul3A_283 = arith.mulf %gather3A_103, %get3A_282 : vector<16xf32>
      %add3A_284 = arith.addf %mul3A_269, %mul3A_276 : vector<16xf32>
      %get3A_285 = arith.constant 2 : i32
      %get3A_286 = arith.index_cast %get3A_285 : i32 to index
      %get3A_287 = arith.index_cast %mul3A_264 : i32 to index
      %get3A_288 = tpu.vector_load %arg11[%get3A_286, %get3A_287] {strides = array<i32>} : memref<4x1024xf32, #tpu.memory_space<vmem>>, vector<16xf32>,
      %add3A_289 = arith.addf %mul3A_283, %get3A_288 : vector<16xf32>
      %add3A_290 = arith.addf %add3A_284, %add3A_289 : vector<16xf32>
      %swap3A_291 = arith.constant 2 : i32
      %swap3A_292 = arith.index_cast %swap3A_291 : i32 to index
      %swap3A_293 = arith.index_cast %mul3A_264 : i32 to index
      %swap3A_294 = tpu.vector_load %arg12[%swap3A_292, %swap3A_293] {strides = array<i32>} : memref<4x1024xf32, #tpu.memory_space<vmem>>, vector<16xf32>,
      tpu.vector_store %arg12[%swap3A_292, %swap3A_293], %add3A_290 {strides = array<i32>} : memref<4x1024xf32, #tpu.memory_space<vmem>>, vector<16xf32>,
      %scan3A_295 = arith.constant 5 : i32
      %scan3A_296 = arith.addi %scan3A_128, %scan3A_295 : i32
      %mul3A_297 = arith.constant 16 : i32
      %mul3A_298 = arith.muli %scan3A_296, %mul3A_297 : i32
      %get3A_299 = arith.constant 2 : i32
      %get3A_300 = arith.index_cast %get3A_299 : i32 to index
      %get3A_301 = arith.index_cast %mul3A_298 : i32 to index
      %get3A_302 = tpu.vector_load %arg10[%get3A_300, %get3A_301] {strides = array<i32>} : memref<4x3072xf32, #tpu.memory_space<vmem>>, vector<16xf32>,
      %mul3A_303 = arith.mulf %gather3A_97, %get3A_302 : vector<16xf32>
      %add3A_304 = arith.constant 1024 : i32
      %add3A_305 = arith.addi %add3A_304, %mul3A_298 : i32
      %get3A_306 = arith.constant 2 : i32
      %get3A_307 = arith.index_cast %get3A_306 : i32 to index
      %get3A_308 = arith.index_cast %add3A_305 : i32 to index
      %get3A_309 = tpu.vector_load %arg10[%get3A_307, %get3A_308] {strides = array<i32>} : memref<4x3072xf32, #tpu.memory_space<vmem>>, vector<16xf32>,
      %mul3A_310 = arith.mulf %gather3A_100, %get3A_309 : vector<16xf32>
      %add3A_311 = arith.constant 2048 : i32
      %add3A_312 = arith.addi %add3A_311, %mul3A_298 : i32
      %get3A_313 = arith.constant 2 : i32
      %get3A_314 = arith.index_cast %get3A_313 : i32 to index
      %get3A_315 = arith.index_cast %add3A_312 : i32 to index
      %get3A_316 = tpu.vector_load %arg10[%get3A_314, %get3A_315] {strides = array<i32>} : memref<4x3072xf32, #tpu.memory_space<vmem>>, vector<16xf32>,
      %mul3A_317 = arith.mulf %gather3A_103, %get3A_316 : vector<16xf32>
      %add3A_318 = arith.addf %mul3A_303, %mul3A_310 : vector<16xf32>
      %get3A_319 = arith.constant 2 : i32
      %get3A_320 = arith.index_cast %get3A_319 : i32 to index
      %get3A_321 = arith.index_cast %mul3A_298 : i32 to index
      %get3A_322 = tpu.vector_load %arg11[%get3A_320, %get3A_321] {strides = array<i32>} : memref<4x1024xf32, #tpu.memory_space<vmem>>, vector<16xf32>,
      %add3A_323 = arith.addf %mul3A_317, %get3A_322 : vector<16xf32>
      %add3A_324 = arith.addf %add3A_318, %add3A_323 : vector<16xf32>
      %swap3A_325 = arith.constant 2 : i32
      %swap3A_326 = arith.index_cast %swap3A_325 : i32 to index
      %swap3A_327 = arith.index_cast %mul3A_298 : i32 to index
      %swap3A_328 = tpu.vector_load %arg12[%swap3A_326, %swap3A_327] {strides = array<i32>} : memref<4x1024xf32, #tpu.memory_space<vmem>>, vector<16xf32>,
      tpu.vector_store %arg12[%swap3A_326, %swap3A_327], %add3A_324 {strides = array<i32>} : memref<4x1024xf32, #tpu.memory_space<vmem>>, vector<16xf32>,
      %scan3A_329 = arith.constant 6 : i32
      %scan3A_330 = arith.addi %scan3A_128, %scan3A_329 : i32
      %mul3A_331 = arith.constant 16 : i32
      %mul3A_332 = arith.muli %scan3A_330, %mul3A_331 : i32
      %get3A_333 = arith.constant 2 : i32
      %get3A_334 = arith.index_cast %get3A_333 : i32 to index
      %get3A_335 = arith.index_cast %mul3A_332 : i32 to index
      %get3A_336 = tpu.vector_load %arg10[%get3A_334, %get3A_335] {strides = array<i32>} : memref<4x3072xf32, #tpu.memory_space<vmem>>, vector<16xf32>,
      %mul3A_337 = arith.mulf %gather3A_97, %get3A_336 : vector<16xf32>
      %add3A_338 = arith.constant 1024 : i32
      %add3A_339 = arith.addi %add3A_338, %mul3A_332 : i32
      %get3A_340 = arith.constant 2 : i32
      %get3A_341 = arith.index_cast %get3A_340 : i32 to index
      %get3A_342 = arith.index_cast %add3A_339 : i32 to index
      %get3A_343 = tpu.vector_load %arg10[%get3A_341, %get3A_342] {strides = array<i32>} : memref<4x3072xf32, #tpu.memory_space<vmem>>, vector<16xf32>,
      %mul3A_344 = arith.mulf %gather3A_100, %get3A_343 : vector<16xf32>
      %add3A_345 = arith.constant 2048 : i32
      %add3A_346 = arith.addi %add3A_345, %mul3A_332 : i32
      %get3A_347 = arith.constant 2 : i32
      %get3A_348 = arith.index_cast %get3A_347 : i32 to index
      %get3A_349 = arith.index_cast %add3A_346 : i32 to index
      %get3A_350 = tpu.vector_load %arg10[%get3A_348, %get3A_349] {strides = array<i32>} : memref<4x3072xf32, #tpu.memory_space<vmem>>, vector<16xf32>,
      %mul3A_351 = arith.mulf %gather3A_103, %get3A_350 : vector<16xf32>
      %add3A_352 = arith.addf %mul3A_337, %mul3A_344 : vector<16xf32>
      %get3A_353 = arith.constant 2 : i32
      %get3A_354 = arith.index_cast %get3A_353 : i32 to index
      %get3A_355 = arith.index_cast %mul3A_332 : i32 to index
      %get3A_356 = tpu.vector_load %arg11[%get3A_354, %get3A_355] {strides = array<i32>} : memref<4x1024xf32, #tpu.memory_space<vmem>>, vector<16xf32>,
      %add3A_357 = arith.addf %mul3A_351, %get3A_356 : vector<16xf32>
      %add3A_358 = arith.addf %add3A_352, %add3A_357 : vector<16xf32>
      %swap3A_359 = arith.constant 2 : i32
      %swap3A_360 = arith.index_cast %swap3A_359 : i32 to index
      %swap3A_361 = arith.index_cast %mul3A_332 : i32 to index
      %swap3A_362 = tpu.vector_load %arg12[%swap3A_360, %swap3A_361] {strides = array<i32>} : memref<4x1024xf32, #tpu.memory_space<vmem>>, vector<16xf32>,
      tpu.vector_store %arg12[%swap3A_360, %swap3A_361], %add3A_358 {strides = array<i32>} : memref<4x1024xf32, #tpu.memory_space<vmem>>, vector<16xf32>,
      %scan3A_363 = arith.constant 7 : i32
      %scan3A_364 = arith.addi %scan3A_128, %scan3A_363 : i32
      %mul3A_365 = arith.constant 16 : i32
      %mul3A_366 = arith.muli %scan3A_364, %mul3A_365 : i32
      %get3A_367 = arith.constant 2 : i32
      %get3A_368 = arith.index_cast %get3A_367 : i32 to index
      %get3A_369 = arith.index_cast %mul3A_366 : i32 to index
      %get3A_370 = tpu.vector_load %arg10[%get3A_368, %get3A_369] {strides = array<i32>} : memref<4x3072xf32, #tpu.memory_space<vmem>>, vector<16xf32>,
      %mul3A_371 = arith.mulf %gather3A_97, %get3A_370 : vector<16xf32>
      %add3A_372 = arith.constant 1024 : i32
      %add3A_373 = arith.addi %add3A_372, %mul3A_366 : i32
      %get3A_374 = arith.constant 2 : i32
      %get3A_375 = arith.index_cast %get3A_374 : i32 to index
      %get3A_376 = arith.index_cast %add3A_373 : i32 to index
      %get3A_377 = tpu.vector_load %arg10[%get3A_375, %get3A_376] {strides = array<i32>} : memref<4x3072xf32, #tpu.memory_space<vmem>>, vector<16xf32>,
      %mul3A_378 = arith.mulf %gather3A_100, %get3A_377 : vector<16xf32>
      %add3A_379 = arith.constant 2048 : i32
      %add3A_380 = arith.addi %add3A_379, %mul3A_366 : i32
      %get3A_381 = arith.constant 2 : i32
      %get3A_382 = arith.index_cast %get3A_381 : i32 to index
      %get3A_383 = arith.index_cast %add3A_380 : i32 to index
      %get3A_384 = tpu.vector_load %arg10[%get3A_382, %get3A_383] {strides = array<i32>} : memref<4x3072xf32, #tpu.memory_space<vmem>>, vector<16xf32>,
      %mul3A_385 = arith.mulf %gather3A_103, %get3A_384 : vector<16xf32>
      %add3A_386 = arith.addf %mul3A_371, %mul3A_378 : vector<16xf32>
      %get3A_387 = arith.constant 2 : i32
      %get3A_388 = arith.index_cast %get3A_387 : i32 to index
      %get3A_389 = arith.index_cast %mul3A_366 : i32 to index
      %get3A_390 = tpu.vector_load %arg11[%get3A_388, %get3A_389] {strides = array<i32>} : memref<4x1024xf32, #tpu.memory_space<vmem>>, vector<16xf32>,
      %add3A_391 = arith.addf %mul3A_385, %get3A_390 : vector<16xf32>
      %add3A_392 = arith.addf %add3A_386, %add3A_391 : vector<16xf32>
      %swap3A_393 = arith.constant 2 : i32
      %swap3A_394 = arith.index_cast %swap3A_393 : i32 to index
      %swap3A_395 = arith.index_cast %mul3A_366 : i32 to index
      %swap3A_396 = tpu.vector_load %arg12[%swap3A_394, %swap3A_395] {strides = array<i32>} : memref<4x1024xf32, #tpu.memory_space<vmem>>, vector<16xf32>,
      tpu.vector_store %arg12[%swap3A_394, %swap3A_395], %add3A_392 {strides = array<i32>} : memref<4x1024xf32, #tpu.memory_space<vmem>>, vector<16xf32>,
    }
    %scan3A_109 = arith.constant 64 : i32
    %add3A_110 = arith.constant 3 : i32
    %add3A_111 = arith.addi %mul3A_2, %add3A_110 : i32
    %broadcast_in_dim3A_112 = vector.broadcast %add3A_111 : i32 to vector<16xi32>
    %broadcast_in_dim3A_113 = arith.constant 0 : i32
    %broadcast_in_dim3A_114 = vector.broadcast %broadcast_in_dim3A_113 : i32 to vector<16xi32>
    %gather3A_115 = tpu.vector_load_idx %arg7[%broadcast_in_dim3A_114, %broadcast_in_dim3A_112] : memref<3x256xf32, #tpu.memory_space<vmem>>[vector<16xi32>, vector<16xi32>], vector<16xf32>,
    %broadcast_in_dim3A_116 = arith.constant 1 : i32
    %broadcast_in_dim3A_117 = vector.broadcast %broadcast_in_dim3A_116 : i32 to vector<16xi32>
    %gather3A_118 = tpu.vector_load_idx %arg7[%broadcast_in_dim3A_117, %broadcast_in_dim3A_112] : memref<3x256xf32, #tpu.memory_space<vmem>>[vector<16xi32>, vector<16xi32>], vector<16xf32>,
    %broadcast_in_dim3A_119 = arith.constant 2 : i32
    %broadcast_in_dim3A_120 = vector.broadcast %broadcast_in_dim3A_119 : i32 to vector<16xi32>
    %gather3A_121 = tpu.vector_load_idx %arg7[%broadcast_in_dim3A_120, %broadcast_in_dim3A_112] : memref<3x256xf32, #tpu.memory_space<vmem>>[vector<16xi32>, vector<16xi32>], vector<16xf32>,
    %scan3A_122 = arith.constant 0 : i32
    %scan3A_123 = arith.constant 0 : i32
    %scan3A_124 = arith.constant 64 : i32
    %scan3A_125 = arith.addi %scan3A_123, %scan3A_124 : i32
    %scan3A_126 = arith.constant 8 : i32
    scf.for %scan3A_128 = %scan3A_123 to %scan3A_125 step %scan3A_126  : i32 {
      %mul3A_129 = arith.constant 16 : i32
      %mul3A_130 = arith.muli %scan3A_128, %mul3A_129 : i32
      %get3A = arith.constant 3 : i32
      %get3A_131 = arith.index_cast %get3A : i32 to index
      %get3A_132 = arith.index_cast %mul3A_130 : i32 to index
      %get3A_133 = tpu.vector_load %arg10[%get3A_131, %get3A_132] {strides = array<i32>} : memref<4x3072xf32, #tpu.memory_space<vmem>>, vector<16xf32>,
      %mul3A_134 = arith.mulf %gather3A_115, %get3A_133 : vector<16xf32>
      %add3A_135 = arith.constant 1024 : i32
      %add3A_136 = arith.addi %add3A_135, %mul3A_130 : i32
      %get3A_137 = arith.constant 3 : i32
      %get3A_138 = arith.index_cast %get3A_137 : i32 to index
      %get3A_139 = arith.index_cast %add3A_136 : i32 to index
      %get3A_140 = tpu.vector_load %arg10[%get3A_138, %get3A_139] {strides = array<i32>} : memref<4x3072xf32, #tpu.memory_space<vmem>>, vector<16xf32>,
      %mul3A_141 = arith.mulf %gather3A_118, %get3A_140 : vector<16xf32>
      %add3A_142 = arith.constant 2048 : i32
      %add3A_143 = arith.addi %add3A_142, %mul3A_130 : i32
      %get3A_144 = arith.constant 3 : i32
      %get3A_145 = arith.index_cast %get3A_144 : i32 to index
      %get3A_146 = arith.index_cast %add3A_143 : i32 to index
      %get3A_147 = tpu.vector_load %arg10[%get3A_145, %get3A_146] {strides = array<i32>} : memref<4x3072xf32, #tpu.memory_space<vmem>>, vector<16xf32>,
      %mul3A_148 = arith.mulf %gather3A_121, %get3A_147 : vector<16xf32>
      %add3A_149 = arith.addf %mul3A_134, %mul3A_141 : vector<16xf32>
      %get3A_150 = arith.constant 3 : i32
      %get3A_151 = arith.index_cast %get3A_150 : i32 to index
      %get3A_152 = arith.index_cast %mul3A_130 : i32 to index
      %get3A_153 = tpu.vector_load %arg11[%get3A_151, %get3A_152] {strides = array<i32>} : memref<4x1024xf32, #tpu.memory_space<vmem>>, vector<16xf32>,
      %add3A_154 = arith.addf %mul3A_148, %get3A_153 : vector<16xf32>
      %add3A_155 = arith.addf %add3A_149, %add3A_154 : vector<16xf32>
      %swap3A = arith.constant 3 : i32
      %swap3A_156 = arith.index_cast %swap3A : i32 to index
      %swap3A_157 = arith.index_cast %mul3A_130 : i32 to index
      %swap3A_158 = tpu.vector_load %arg12[%swap3A_156, %swap3A_157] {strides = array<i32>} : memref<4x1024xf32, #tpu.memory_space<vmem>>, vector<16xf32>,
      tpu.vector_store %arg12[%swap3A_156, %swap3A_157], %add3A_155 {strides = array<i32>} : memref<4x1024xf32, #tpu.memory_space<vmem>>, vector<16xf32>,
      %scan3A_159 = arith.constant 1 : i32
      %scan3A_160 = arith.addi %scan3A_128, %scan3A_159 : i32
      %mul3A_161 = arith.constant 16 : i32
      %mul3A_162 = arith.muli %scan3A_160, %mul3A_161 : i32
      %get3A_163 = arith.constant 3 : i32
      %get3A_164 = arith.index_cast %get3A_163 : i32 to index
      %get3A_165 = arith.index_cast %mul3A_162 : i32 to index
      %get3A_166 = tpu.vector_load %arg10[%get3A_164, %get3A_165] {strides = array<i32>} : memref<4x3072xf32, #tpu.memory_space<vmem>>, vector<16xf32>,
      %mul3A_167 = arith.mulf %gather3A_115, %get3A_166 : vector<16xf32>
      %add3A_168 = arith.constant 1024 : i32
      %add3A_169 = arith.addi %add3A_168, %mul3A_162 : i32
      %get3A_170 = arith.constant 3 : i32
      %get3A_171 = arith.index_cast %get3A_170 : i32 to index
      %get3A_172 = arith.index_cast %add3A_169 : i32 to index
      %get3A_173 = tpu.vector_load %arg10[%get3A_171, %get3A_172] {strides = array<i32>} : memref<4x3072xf32, #tpu.memory_space<vmem>>, vector<16xf32>,
      %mul3A_174 = arith.mulf %gather3A_118, %get3A_173 : vector<16xf32>
      %add3A_175 = arith.constant 2048 : i32
      %add3A_176 = arith.addi %add3A_175, %mul3A_162 : i32
      %get3A_177 = arith.constant 3 : i32
      %get3A_178 = arith.index_cast %get3A_177 : i32 to index
      %get3A_179 = arith.index_cast %add3A_176 : i32 to index
      %get3A_180 = tpu.vector_load %arg10[%get3A_178, %get3A_179] {strides = array<i32>} : memref<4x3072xf32, #tpu.memory_space<vmem>>, vector<16xf32>,
      %mul3A_181 = arith.mulf %gather3A_121, %get3A_180 : vector<16xf32>
      %add3A_182 = arith.addf %mul3A_167, %mul3A_174 : vector<16xf32>
      %get3A_183 = arith.constant 3 : i32
      %get3A_184 = arith.index_cast %get3A_183 : i32 to index
      %get3A_185 = arith.index_cast %mul3A_162 : i32 to index
      %get3A_186 = tpu.vector_load %arg11[%get3A_184, %get3A_185] {strides = array<i32>} : memref<4x1024xf32, #tpu.memory_space<vmem>>, vector<16xf32>,
      %add3A_187 = arith.addf %mul3A_181, %get3A_186 : vector<16xf32>
      %add3A_188 = arith.addf %add3A_182, %add3A_187 : vector<16xf32>
      %swap3A_189 = arith.constant 3 : i32
      %swap3A_190 = arith.index_cast %swap3A_189 : i32 to index
      %swap3A_191 = arith.index_cast %mul3A_162 : i32 to index
      %swap3A_192 = tpu.vector_load %arg12[%swap3A_190, %swap3A_191] {strides = array<i32>} : memref<4x1024xf32, #tpu.memory_space<vmem>>, vector<16xf32>,
      tpu.vector_store %arg12[%swap3A_190, %swap3A_191], %add3A_188 {strides = array<i32>} : memref<4x1024xf32, #tpu.memory_space<vmem>>, vector<16xf32>,
      %scan3A_193 = arith.constant 2 : i32
      %scan3A_194 = arith.addi %scan3A_128, %scan3A_193 : i32
      %mul3A_195 = arith.constant 16 : i32
      %mul3A_196 = arith.muli %scan3A_194, %mul3A_195 : i32
      %get3A_197 = arith.constant 3 : i32
      %get3A_198 = arith.index_cast %get3A_197 : i32 to index
      %get3A_199 = arith.index_cast %mul3A_196 : i32 to index
      %get3A_200 = tpu.vector_load %arg10[%get3A_198, %get3A_199] {strides = array<i32>} : memref<4x3072xf32, #tpu.memory_space<vmem>>, vector<16xf32>,
      %mul3A_201 = arith.mulf %gather3A_115, %get3A_200 : vector<16xf32>
      %add3A_202 = arith.constant 1024 : i32
      %add3A_203 = arith.addi %add3A_202, %mul3A_196 : i32
      %get3A_204 = arith.constant 3 : i32
      %get3A_205 = arith.index_cast %get3A_204 : i32 to index
      %get3A_206 = arith.index_cast %add3A_203 : i32 to index
      %get3A_207 = tpu.vector_load %arg10[%get3A_205, %get3A_206] {strides = array<i32>} : memref<4x3072xf32, #tpu.memory_space<vmem>>, vector<16xf32>,
      %mul3A_208 = arith.mulf %gather3A_118, %get3A_207 : vector<16xf32>
      %add3A_209 = arith.constant 2048 : i32
      %add3A_210 = arith.addi %add3A_209, %mul3A_196 : i32
      %get3A_211 = arith.constant 3 : i32
      %get3A_212 = arith.index_cast %get3A_211 : i32 to index
      %get3A_213 = arith.index_cast %add3A_210 : i32 to index
      %get3A_214 = tpu.vector_load %arg10[%get3A_212, %get3A_213] {strides = array<i32>} : memref<4x3072xf32, #tpu.memory_space<vmem>>, vector<16xf32>,
      %mul3A_215 = arith.mulf %gather3A_121, %get3A_214 : vector<16xf32>
      %add3A_216 = arith.addf %mul3A_201, %mul3A_208 : vector<16xf32>
      %get3A_217 = arith.constant 3 : i32
      %get3A_218 = arith.index_cast %get3A_217 : i32 to index
      %get3A_219 = arith.index_cast %mul3A_196 : i32 to index
      %get3A_220 = tpu.vector_load %arg11[%get3A_218, %get3A_219] {strides = array<i32>} : memref<4x1024xf32, #tpu.memory_space<vmem>>, vector<16xf32>,
      %add3A_221 = arith.addf %mul3A_215, %get3A_220 : vector<16xf32>
      %add3A_222 = arith.addf %add3A_216, %add3A_221 : vector<16xf32>
      %swap3A_223 = arith.constant 3 : i32
      %swap3A_224 = arith.index_cast %swap3A_223 : i32 to index
      %swap3A_225 = arith.index_cast %mul3A_196 : i32 to index
      %swap3A_226 = tpu.vector_load %arg12[%swap3A_224, %swap3A_225] {strides = array<i32>} : memref<4x1024xf32, #tpu.memory_space<vmem>>, vector<16xf32>,
      tpu.vector_store %arg12[%swap3A_224, %swap3A_225], %add3A_222 {strides = array<i32>} : memref<4x1024xf32, #tpu.memory_space<vmem>>, vector<16xf32>,
      %scan3A_227 = arith.constant 3 : i32
      %scan3A_228 = arith.addi %scan3A_128, %scan3A_227 : i32
      %mul3A_229 = arith.constant 16 : i32
      %mul3A_230 = arith.muli %scan3A_228, %mul3A_229 : i32
      %get3A_231 = arith.constant 3 : i32
      %get3A_232 = arith.index_cast %get3A_231 : i32 to index
      %get3A_233 = arith.index_cast %mul3A_230 : i32 to index
      %get3A_234 = tpu.vector_load %arg10[%get3A_232, %get3A_233] {strides = array<i32>} : memref<4x3072xf32, #tpu.memory_space<vmem>>, vector<16xf32>,
      %mul3A_235 = arith.mulf %gather3A_115, %get3A_234 : vector<16xf32>
      %add3A_236 = arith.constant 1024 : i32
      %add3A_237 = arith.addi %add3A_236, %mul3A_230 : i32
      %get3A_238 = arith.constant 3 : i32
      %get3A_239 = arith.index_cast %get3A_238 : i32 to index
      %get3A_240 = arith.index_cast %add3A_237 : i32 to index
      %get3A_241 = tpu.vector_load %arg10[%get3A_239, %get3A_240] {strides = array<i32>} : memref<4x3072xf32, #tpu.memory_space<vmem>>, vector<16xf32>,
      %mul3A_242 = arith.mulf %gather3A_118, %get3A_241 : vector<16xf32>
      %add3A_243 = arith.constant 2048 : i32
      %add3A_244 = arith.addi %add3A_243, %mul3A_230 : i32
      %get3A_245 = arith.constant 3 : i32
      %get3A_246 = arith.index_cast %get3A_245 : i32 to index
      %get3A_247 = arith.index_cast %add3A_244 : i32 to index
      %get3A_248 = tpu.vector_load %arg10[%get3A_246, %get3A_247] {strides = array<i32>} : memref<4x3072xf32, #tpu.memory_space<vmem>>, vector<16xf32>,
      %mul3A_249 = arith.mulf %gather3A_121, %get3A_248 : vector<16xf32>
      %add3A_250 = arith.addf %mul3A_235, %mul3A_242 : vector<16xf32>
      %get3A_251 = arith.constant 3 : i32
      %get3A_252 = arith.index_cast %get3A_251 : i32 to index
      %get3A_253 = arith.index_cast %mul3A_230 : i32 to index
      %get3A_254 = tpu.vector_load %arg11[%get3A_252, %get3A_253] {strides = array<i32>} : memref<4x1024xf32, #tpu.memory_space<vmem>>, vector<16xf32>,
      %add3A_255 = arith.addf %mul3A_249, %get3A_254 : vector<16xf32>
      %add3A_256 = arith.addf %add3A_250, %add3A_255 : vector<16xf32>
      %swap3A_257 = arith.constant 3 : i32
      %swap3A_258 = arith.index_cast %swap3A_257 : i32 to index
      %swap3A_259 = arith.index_cast %mul3A_230 : i32 to index
      %swap3A_260 = tpu.vector_load %arg12[%swap3A_258, %swap3A_259] {strides = array<i32>} : memref<4x1024xf32, #tpu.memory_space<vmem>>, vector<16xf32>,
      tpu.vector_store %arg12[%swap3A_258, %swap3A_259], %add3A_256 {strides = array<i32>} : memref<4x1024xf32, #tpu.memory_space<vmem>>, vector<16xf32>,
      %scan3A_261 = arith.constant 4 : i32
      %scan3A_262 = arith.addi %scan3A_128, %scan3A_261 : i32
      %mul3A_263 = arith.constant 16 : i32
      %mul3A_264 = arith.muli %scan3A_262, %mul3A_263 : i32
      %get3A_265 = arith.constant 3 : i32
      %get3A_266 = arith.index_cast %get3A_265 : i32 to index
      %get3A_267 = arith.index_cast %mul3A_264 : i32 to index
      %get3A_268 = tpu.vector_load %arg10[%get3A_266, %get3A_267] {strides = array<i32>} : memref<4x3072xf32, #tpu.memory_space<vmem>>, vector<16xf32>,
      %mul3A_269 = arith.mulf %gather3A_115, %get3A_268 : vector<16xf32>
      %add3A_270 = arith.constant 1024 : i32
      %add3A_271 = arith.addi %add3A_270, %mul3A_264 : i32
      %get3A_272 = arith.constant 3 : i32
      %get3A_273 = arith.index_cast %get3A_272 : i32 to index
      %get3A_274 = arith.index_cast %add3A_271 : i32 to index
      %get3A_275 = tpu.vector_load %arg10[%get3A_273, %get3A_274] {strides = array<i32>} : memref<4x3072xf32, #tpu.memory_space<vmem>>, vector<16xf32>,
      %mul3A_276 = arith.mulf %gather3A_118, %get3A_275 : vector<16xf32>
      %add3A_277 = arith.constant 2048 : i32
      %add3A_278 = arith.addi %add3A_277, %mul3A_264 : i32
      %get3A_279 = arith.constant 3 : i32
      %get3A_280 = arith.index_cast %get3A_279 : i32 to index
      %get3A_281 = arith.index_cast %add3A_278 : i32 to index
      %get3A_282 = tpu.vector_load %arg10[%get3A_280, %get3A_281] {strides = array<i32>} : memref<4x3072xf32, #tpu.memory_space<vmem>>, vector<16xf32>,
      %mul3A_283 = arith.mulf %gather3A_121, %get3A_282 : vector<16xf32>
      %add3A_284 = arith.addf %mul3A_269, %mul3A_276 : vector<16xf32>
      %get3A_285 = arith.constant 3 : i32
      %get3A_286 = arith.index_cast %get3A_285 : i32 to index
      %get3A_287 = arith.index_cast %mul3A_264 : i32 to index
      %get3A_288 = tpu.vector_load %arg11[%get3A_286, %get3A_287] {strides = array<i32>} : memref<4x1024xf32, #tpu.memory_space<vmem>>, vector<16xf32>,
      %add3A_289 = arith.addf %mul3A_283, %get3A_288 : vector<16xf32>
      %add3A_290 = arith.addf %add3A_284, %add3A_289 : vector<16xf32>
      %swap3A_291 = arith.constant 3 : i32
      %swap3A_292 = arith.index_cast %swap3A_291 : i32 to index
      %swap3A_293 = arith.index_cast %mul3A_264 : i32 to index
      %swap3A_294 = tpu.vector_load %arg12[%swap3A_292, %swap3A_293] {strides = array<i32>} : memref<4x1024xf32, #tpu.memory_space<vmem>>, vector<16xf32>,
      tpu.vector_store %arg12[%swap3A_292, %swap3A_293], %add3A_290 {strides = array<i32>} : memref<4x1024xf32, #tpu.memory_space<vmem>>, vector<16xf32>,
      %scan3A_295 = arith.constant 5 : i32
      %scan3A_296 = arith.addi %scan3A_128, %scan3A_295 : i32
      %mul3A_297 = arith.constant 16 : i32
      %mul3A_298 = arith.muli %scan3A_296, %mul3A_297 : i32
      %get3A_299 = arith.constant 3 : i32
      %get3A_300 = arith.index_cast %get3A_299 : i32 to index
      %get3A_301 = arith.index_cast %mul3A_298 : i32 to index
      %get3A_302 = tpu.vector_load %arg10[%get3A_300, %get3A_301] {strides = array<i32>} : memref<4x3072xf32, #tpu.memory_space<vmem>>, vector<16xf32>,
      %mul3A_303 = arith.mulf %gather3A_115, %get3A_302 : vector<16xf32>
      %add3A_304 = arith.constant 1024 : i32
      %add3A_305 = arith.addi %add3A_304, %mul3A_298 : i32
      %get3A_306 = arith.constant 3 : i32
      %get3A_307 = arith.index_cast %get3A_306 : i32 to index
      %get3A_308 = arith.index_cast %add3A_305 : i32 to index
      %get3A_309 = tpu.vector_load %arg10[%get3A_307, %get3A_308] {strides = array<i32>} : memref<4x3072xf32, #tpu.memory_space<vmem>>, vector<16xf32>,
      %mul3A_310 = arith.mulf %gather3A_118, %get3A_309 : vector<16xf32>
      %add3A_311 = arith.constant 2048 : i32
      %add3A_312 = arith.addi %add3A_311, %mul3A_298 : i32
      %get3A_313 = arith.constant 3 : i32
      %get3A_314 = arith.index_cast %get3A_313 : i32 to index
      %get3A_315 = arith.index_cast %add3A_312 : i32 to index
      %get3A_316 = tpu.vector_load %arg10[%get3A_314, %get3A_315] {strides = array<i32>} : memref<4x3072xf32, #tpu.memory_space<vmem>>, vector<16xf32>,
      %mul3A_317 = arith.mulf %gather3A_121, %get3A_316 : vector<16xf32>
      %add3A_318 = arith.addf %mul3A_303, %mul3A_310 : vector<16xf32>
      %get3A_319 = arith.constant 3 : i32
      %get3A_320 = arith.index_cast %get3A_319 : i32 to index
      %get3A_321 = arith.index_cast %mul3A_298 : i32 to index
      %get3A_322 = tpu.vector_load %arg11[%get3A_320, %get3A_321] {strides = array<i32>} : memref<4x1024xf32, #tpu.memory_space<vmem>>, vector<16xf32>,
      %add3A_323 = arith.addf %mul3A_317, %get3A_322 : vector<16xf32>
      %add3A_324 = arith.addf %add3A_318, %add3A_323 : vector<16xf32>
      %swap3A_325 = arith.constant 3 : i32
      %swap3A_326 = arith.index_cast %swap3A_325 : i32 to index
      %swap3A_327 = arith.index_cast %mul3A_298 : i32 to index
      %swap3A_328 = tpu.vector_load %arg12[%swap3A_326, %swap3A_327] {strides = array<i32>} : memref<4x1024xf32, #tpu.memory_space<vmem>>, vector<16xf32>,
      tpu.vector_store %arg12[%swap3A_326, %swap3A_327], %add3A_324 {strides = array<i32>} : memref<4x1024xf32, #tpu.memory_space<vmem>>, vector<16xf32>,
      %scan3A_329 = arith.constant 6 : i32
      %scan3A_330 = arith.addi %scan3A_128, %scan3A_329 : i32
      %mul3A_331 = arith.constant 16 : i32
      %mul3A_332 = arith.muli %scan3A_330, %mul3A_331 : i32
      %get3A_333 = arith.constant 3 : i32
      %get3A_334 = arith.index_cast %get3A_333 : i32 to index
      %get3A_335 = arith.index_cast %mul3A_332 : i32 to index
      %get3A_336 = tpu.vector_load %arg10[%get3A_334, %get3A_335] {strides = array<i32>} : memref<4x3072xf32, #tpu.memory_space<vmem>>, vector<16xf32>,
      %mul3A_337 = arith.mulf %gather3A_115, %get3A_336 : vector<16xf32>
      %add3A_338 = arith.constant 1024 : i32
      %add3A_339 = arith.addi %add3A_338, %mul3A_332 : i32
      %get3A_340 = arith.constant 3 : i32
      %get3A_341 = arith.index_cast %get3A_340 : i32 to index
      %get3A_342 = arith.index_cast %add3A_339 : i32 to index
      %get3A_343 = tpu.vector_load %arg10[%get3A_341, %get3A_342] {strides = array<i32>} : memref<4x3072xf32, #tpu.memory_space<vmem>>, vector<16xf32>,
      %mul3A_344 = arith.mulf %gather3A_118, %get3A_343 : vector<16xf32>
      %add3A_345 = arith.constant 2048 : i32
      %add3A_346 = arith.addi %add3A_345, %mul3A_332 : i32
      %get3A_347 = arith.constant 3 : i32
      %get3A_348 = arith.index_cast %get3A_347 : i32 to index
      %get3A_349 = arith.index_cast %add3A_346 : i32 to index
      %get3A_350 = tpu.vector_load %arg10[%get3A_348, %get3A_349] {strides = array<i32>} : memref<4x3072xf32, #tpu.memory_space<vmem>>, vector<16xf32>,
      %mul3A_351 = arith.mulf %gather3A_121, %get3A_350 : vector<16xf32>
      %add3A_352 = arith.addf %mul3A_337, %mul3A_344 : vector<16xf32>
      %get3A_353 = arith.constant 3 : i32
      %get3A_354 = arith.index_cast %get3A_353 : i32 to index
      %get3A_355 = arith.index_cast %mul3A_332 : i32 to index
      %get3A_356 = tpu.vector_load %arg11[%get3A_354, %get3A_355] {strides = array<i32>} : memref<4x1024xf32, #tpu.memory_space<vmem>>, vector<16xf32>,
      %add3A_357 = arith.addf %mul3A_351, %get3A_356 : vector<16xf32>
      %add3A_358 = arith.addf %add3A_352, %add3A_357 : vector<16xf32>
      %swap3A_359 = arith.constant 3 : i32
      %swap3A_360 = arith.index_cast %swap3A_359 : i32 to index
      %swap3A_361 = arith.index_cast %mul3A_332 : i32 to index
      %swap3A_362 = tpu.vector_load %arg12[%swap3A_360, %swap3A_361] {strides = array<i32>} : memref<4x1024xf32, #tpu.memory_space<vmem>>, vector<16xf32>,
      tpu.vector_store %arg12[%swap3A_360, %swap3A_361], %add3A_358 {strides = array<i32>} : memref<4x1024xf32, #tpu.memory_space<vmem>>, vector<16xf32>,
      %scan3A_363 = arith.constant 7 : i32
      %scan3A_364 = arith.addi %scan3A_128, %scan3A_363 : i32
      %mul3A_365 = arith.constant 16 : i32
      %mul3A_366 = arith.muli %scan3A_364, %mul3A_365 : i32
      %get3A_367 = arith.constant 3 : i32
      %get3A_368 = arith.index_cast %get3A_367 : i32 to index
      %get3A_369 = arith.index_cast %mul3A_366 : i32 to index
      %get3A_370 = tpu.vector_load %arg10[%get3A_368, %get3A_369] {strides = array<i32>} : memref<4x3072xf32, #tpu.memory_space<vmem>>, vector<16xf32>,
      %mul3A_371 = arith.mulf %gather3A_115, %get3A_370 : vector<16xf32>
      %add3A_372 = arith.constant 1024 : i32
      %add3A_373 = arith.addi %add3A_372, %mul3A_366 : i32
      %get3A_374 = arith.constant 3 : i32
      %get3A_375 = arith.index_cast %get3A_374 : i32 to index
      %get3A_376 = arith.index_cast %add3A_373 : i32 to index
      %get3A_377 = tpu.vector_load %arg10[%get3A_375, %get3A_376] {strides = array<i32>} : memref<4x3072xf32, #tpu.memory_space<vmem>>, vector<16xf32>,
      %mul3A_378 = arith.mulf %gather3A_118, %get3A_377 : vector<16xf32>
      %add3A_379 = arith.constant 2048 : i32
      %add3A_380 = arith.addi %add3A_379, %mul3A_366 : i32
      %get3A_381 = arith.constant 3 : i32
      %get3A_382 = arith.index_cast %get3A_381 : i32 to index
      %get3A_383 = arith.index_cast %add3A_380 : i32 to index
      %get3A_384 = tpu.vector_load %arg10[%get3A_382, %get3A_383] {strides = array<i32>} : memref<4x3072xf32, #tpu.memory_space<vmem>>, vector<16xf32>,
      %mul3A_385 = arith.mulf %gather3A_121, %get3A_384 : vector<16xf32>
      %add3A_386 = arith.addf %mul3A_371, %mul3A_378 : vector<16xf32>
      %get3A_387 = arith.constant 3 : i32
      %get3A_388 = arith.index_cast %get3A_387 : i32 to index
      %get3A_389 = arith.index_cast %mul3A_366 : i32 to index
      %get3A_390 = tpu.vector_load %arg11[%get3A_388, %get3A_389] {strides = array<i32>} : memref<4x1024xf32, #tpu.memory_space<vmem>>, vector<16xf32>,
      %add3A_391 = arith.addf %mul3A_385, %get3A_390 : vector<16xf32>
      %add3A_392 = arith.addf %add3A_386, %add3A_391 : vector<16xf32>
      %swap3A_393 = arith.constant 3 : i32
      %swap3A_394 = arith.index_cast %swap3A_393 : i32 to index
      %swap3A_395 = arith.index_cast %mul3A_366 : i32 to index
      %swap3A_396 = tpu.vector_load %arg12[%swap3A_394, %swap3A_395] {strides = array<i32>} : memref<4x1024xf32, #tpu.memory_space<vmem>>, vector<16xf32>,
      tpu.vector_store %arg12[%swap3A_394, %swap3A_395], %add3A_392 {strides = array<i32>} : memref<4x1024xf32, #tpu.memory_space<vmem>>, vector<16xf32>,
    }
    %scan3A_127 = arith.constant 64 : i32
    "tpu.region"() ({
      %run_scoped3A = tpu.sem_alloc : memref<!tpu.dma_semaphore, #tpu.memory_space<semaphore_mem>>
      %dma_start3A_128 = arith.constant 0 : i32
      %dma_start3A_129 = tpu.memref_slice %arg6[%mul3A_2, %dma_start3A_128] : memref<128x1024xf32, #tpu.memory_space<hbm>> -> memref<4x1024xf32, #tpu.memory_space<hbm>>
      %dma_start3A_130 = arith.constant 0 : i32
      %dma_start3A_131 = tpu.memref_slice %arg6[%mul3A_2, %dma_start3A_130] : memref<128x1024xf32, #tpu.memory_space<hbm>> -> memref<4x1024xf32, #tpu.memory_space<hbm>>
      tpu.enqueue_dma source(%arg12 : memref<4x1024xf32, #tpu.memory_space<vmem>>) target(%dma_start3A_131 : memref<4x1024xf32, #tpu.memory_space<hbm>>) target_semaphore(%run_scoped3A : memref<!tpu.dma_semaphore, #tpu.memory_space<semaphore_mem>>)
      %dma_wait3A_132 = arith.constant 0 : i32
      %dma_wait3A_133 = tpu.memref_slice %arg6[%mul3A_2, %dma_wait3A_132] : memref<128x1024xf32, #tpu.memory_space<hbm>> -> memref<4x1024xf32, #tpu.memory_space<hbm>>
      %dma_wait3A_134 = arith.constant 0 : i32
      %dma_wait3A_135 = tpu.memref_slice %arg6[%mul3A_2, %dma_wait3A_134] : memref<128x1024xf32, #tpu.memory_space<hbm>> -> memref<4x1024xf32, #tpu.memory_space<hbm>>
      tpu.wait_dma2 semaphore(%run_scoped3A : memref<!tpu.dma_semaphore, #tpu.memory_space<semaphore_mem>>) src(%arg12 : memref<4x1024xf32, #tpu.memory_space<vmem>>) dst(%dma_wait3A_135 : memref<4x1024xf32, #tpu.memory_space<hbm>>)
      tpu.yield
    }) : () -> ()
    return
  }
}

module attributes {stable_mosaic.version = 14 : i64} {
  func.func @_gap_route_body(%arg0: i32, %arg1: memref<3x8x224x256xf32, #tpu.memory_space<vmem>>, %arg2: memref<3x16xf32, #tpu.memory_space<vmem>>, %arg3: memref<1x16xf32, #tpu.memory_space<vmem>>, %arg4: memref<3x256xf32, #tpu.memory_space<vmem>>, %arg5: memref<256x16xf32, #tpu.memory_space<vmem>>, %arg6: memref<256xi32, #tpu.memory_space<vmem>>, %arg7: memref<256x1xi32, #tpu.memory_space<vmem>>, %arg8: memref<3x256xf32, #tpu.memory_space<vmem>>) attributes {dimension_semantics = [#tpu.dimension_semantics<arbitrary>], iteration_bounds = array<i64: 28>, scalar_prefetch = 0 : i64, scratch_operands = 1 : i64, tpu.core_type = #tpu.core_type<tc>, window_params = [{transform_indices = @transform_0, window_bounds = array<i64: 3, 8, 224, 256>}, {pipeline_mode = #tpu.pipeline_mode<synchronous>, transform_indices = @transform_1, window_bounds = array<i64: 3, 16>}, {pipeline_mode = #tpu.pipeline_mode<synchronous>, transform_indices = @transform_2, window_bounds = array<i64: 1, 16>}, {pipeline_mode = #tpu.pipeline_mode<synchronous>, transform_indices = @transform_3, window_bounds = array<i64: 3, 256>}, {pipeline_mode = #tpu.pipeline_mode<synchronous>, transform_indices = @transform_4, window_bounds = array<i64: 256, 16>}, {pipeline_mode = #tpu.pipeline_mode<synchronous>, transform_indices = @transform_5, window_bounds = array<i64: 256>}, {pipeline_mode = #tpu.pipeline_mode<synchronous>, transform_indices = @transform_6, window_bounds = array<i64: 256, 1>}]} {
    %get3A = arith.constant 0 : index
    %get3A_0 = arith.constant 0 : index
    %get3A_1 = arith.constant 0 : index
    %get3A_2 = arith.constant 0 : index
    %get3A_3 = vector.load %arg1[%get3A, %get3A_0, %get3A_1, %get3A_2] : memref<3x8x224x256xf32, #tpu.memory_space<vmem>>, vector<3x8x224x256xf32>
    %reduce_sum3A = arith.constant dense<0.000000e+00> : vector<3x256xf32>
    %reduce_sum3A_4 = vector.multi_reduction <add>, %get3A_3, %reduce_sum3A [1, 2] : vector<3x8x224x256xf32> to vector<3x256xf32>
    %eq3A = arith.constant 0 : i32
    %eq3A_5 = arith.cmpi eq, %arg0, %eq3A : i32
    %convert_element_type3A = arith.extui %eq3A_5 : i1 to i32
    %cond3A = arith.constant 0 : i32
    %cond3A_6 = arith.cmpi ne, %convert_element_type3A, %cond3A : i32
    scf.if %cond3A_6 {
      %swap3A = arith.constant 0 : index
      %swap3A_16 = arith.constant 0 : index
      %swap3A_17 = vector.load %arg8[%swap3A, %swap3A_16] : memref<3x256xf32, #tpu.memory_space<vmem>>, vector<3x256xf32>
      tpu.vector_store %arg8[%swap3A, %swap3A_16], %reduce_sum3A_4 {strides = array<i32>} : memref<3x256xf32, #tpu.memory_space<vmem>>, vector<3x256xf32>,
    } else {
    }
    %gt3A = arith.constant 0 : i32
    %gt3A_7 = arith.cmpi sgt, %arg0, %gt3A : i32
    %convert_element_type3A_8 = arith.extui %gt3A_7 : i1 to i32
    %cond3A_9 = arith.constant 0 : i32
    %cond3A_10 = arith.cmpi ne, %convert_element_type3A_8, %cond3A_9 : i32
    scf.if %cond3A_10 {
      %get3A_16 = arith.constant 0 : index
      %get3A_17 = arith.constant 0 : index
      %get3A_18 = vector.load %arg8[%get3A_16, %get3A_17] : memref<3x256xf32, #tpu.memory_space<vmem>>, vector<3x256xf32>
      %add3A = arith.addf %get3A_18, %reduce_sum3A_4 : vector<3x256xf32>
      %swap3A = arith.constant 0 : index
      %swap3A_19 = arith.constant 0 : index
      %swap3A_20 = vector.load %arg8[%swap3A, %swap3A_19] : memref<3x256xf32, #tpu.memory_space<vmem>>, vector<3x256xf32>
      tpu.vector_store %arg8[%swap3A, %swap3A_19], %add3A {strides = array<i32>} : memref<3x256xf32, #tpu.memory_space<vmem>>, vector<3x256xf32>,
    } else {
    }
    %eq3A_11 = arith.constant 27 : i32
    %eq3A_12 = arith.cmpi eq, %arg0, %eq3A_11 : i32
    %convert_element_type3A_13 = arith.extui %eq3A_12 : i1 to i32
    %cond3A_14 = arith.constant 0 : i32
    %cond3A_15 = arith.cmpi ne, %convert_element_type3A_13, %cond3A_14 : i32
    scf.if %cond3A_15 {
      %get3A_16 = arith.constant 0 : index
      %get3A_17 = arith.constant 0 : index
      %get3A_18 = vector.load %arg8[%get3A_16, %get3A_17] : memref<3x256xf32, #tpu.memory_space<vmem>>, vector<3x256xf32>
      %mul3A = arith.constant 1.99298465E-5 : f32
      %mul3A_19 = vector.broadcast %mul3A : f32 to vector<3x256xf32>
      %mul3A_20 = arith.mulf %get3A_18, %mul3A_19 : vector<3x256xf32>
      %swap3A = arith.constant 0 : index
      %swap3A_21 = arith.constant 0 : index
      %swap3A_22 = vector.load %arg4[%swap3A, %swap3A_21] : memref<3x256xf32, #tpu.memory_space<vmem>>, vector<3x256xf32>
      tpu.vector_store %arg4[%swap3A, %swap3A_21], %mul3A_20 {strides = array<i32>} : memref<3x256xf32, #tpu.memory_space<vmem>>, vector<3x256xf32>,
      %get3A_23 = arith.constant 0 : index
      %get3A_24 = arith.constant 0 : index
      %get3A_25 = vector.load %arg2[%get3A_23, %get3A_24] : memref<3x16xf32, #tpu.memory_space<vmem>>, vector<3x16xf32>
      %dot_general3A = arith.constant dense<0.000000e+00> : vector<256x16xf32>
      %dot_general3A_26 = tpu.matmul %mul3A_20, %get3A_25, %dot_general3A {dimension_numbers = #tpu.dot_dimension_numbers<[0], [0], [1], [1], [0, 1, 1, 1], [], []>, transpose_lhs_hint = false} : vector<3x256xf32>, vector<3x16xf32>, vector<256x16xf32> -> vector<256x16xf32>
      %get3A_27 = arith.constant 0 : index
      %get3A_28 = arith.constant 0 : index
      %get3A_29 = vector.load %arg3[%get3A_27, %get3A_28] : memref<1x16xf32, #tpu.memory_space<vmem>>, vector<1x16xf32>
      %add3A = vector.broadcast %get3A_29 : vector<1x16xf32> to vector<256x16xf32>
      %add3A_30 = arith.addf %dot_general3A_26, %add3A : vector<256x16xf32>
      %reduce_max3A = arith.constant dense<0xFF800000> : vector<256xf32>
      %reduce_max3A_31 = vector.multi_reduction <maximumf>, %add3A_30, %reduce_max3A [1] : vector<256x16xf32> to vector<256xf32>
      %max3A = arith.constant 0xFF800000 : f32
      %max3A_32 = vector.broadcast %max3A : f32 to vector<256xf32>
      %max3A_33 = arith.maximumf %max3A_32, %reduce_max3A_31 : vector<256xf32>
      %broadcast_in_dim3A = vector.shape_cast %max3A_33 : vector<256xf32> to vector<256x1xf32>
      %sub3A = vector.broadcast %broadcast_in_dim3A : vector<256x1xf32> to vector<256x16xf32>
      %sub3A_34 = arith.subf %add3A_30, %sub3A : vector<256x16xf32>
      %exp3A = math.exp %sub3A_34 : vector<256x16xf32>
      %reduce_sum3A_35 = arith.constant dense<0.000000e+00> : vector<256xf32>
      %reduce_sum3A_36 = vector.multi_reduction <add>, %exp3A, %reduce_sum3A_35 [1] : vector<256x16xf32> to vector<256xf32>
      %broadcast_in_dim3A_37 = vector.shape_cast %reduce_sum3A_36 : vector<256xf32> to vector<256x1xf32>
      %div3A = vector.broadcast %broadcast_in_dim3A_37 : vector<256x1xf32> to vector<256x16xf32>
      %div3A_38 = arith.divf %exp3A, %div3A : vector<256x16xf32>
      %swap3A_39 = arith.constant 0 : index
      %swap3A_40 = arith.constant 0 : index
      %swap3A_41 = vector.load %arg5[%swap3A_39, %swap3A_40] : memref<256x16xf32, #tpu.memory_space<vmem>>, vector<256x16xf32>
      tpu.vector_store %arg5[%swap3A_39, %swap3A_40], %div3A_38 {strides = array<i32>} : memref<256x16xf32, #tpu.memory_space<vmem>>, vector<256x16xf32>,
      %reduce_max3A_42 = arith.constant dense<0xFF800000> : vector<256xf32>
      %reduce_max3A_43 = vector.multi_reduction <maximumf>, %div3A_38, %reduce_max3A_42 [1] : vector<256x16xf32> to vector<256xf32>
      %broadcast_in_dim3A_44 = vector.shape_cast %reduce_max3A_43 : vector<256xf32> to vector<256x1xf32>
      %iota3A = tpu.iota {dimensions = array<i32: 1>} : vector<256x16xi32>
      %eq3A_45 = vector.broadcast %broadcast_in_dim3A_44 : vector<256x1xf32> to vector<256x16xf32>
      %eq3A_46 = arith.cmpf oeq, %div3A_38, %eq3A_45 : vector<256x16xf32>
      %jit3A = arith.constant 16 : i32
      %broadcast_in_dim3A_47 = vector.broadcast %jit3A : i32 to vector<256x16xi32>
      %select_n3A = arith.select %eq3A_46, %iota3A, %broadcast_in_dim3A_47 : vector<256x16xi1>, vector<256x16xi32>
      %reduce_min3A = arith.constant dense<2147483647> : vector<256xi32>
      %reduce_min3A_48 = vector.multi_reduction <minsi>, %select_n3A, %reduce_min3A [1] : vector<256x16xi32> to vector<256xi32>
      %broadcast_in_dim3A_49 = vector.shape_cast %reduce_min3A_48 : vector<256xi32> to vector<256x1xi32>
      %squeeze3A = vector.shape_cast %broadcast_in_dim3A_49 : vector<256x1xi32> to vector<256xi32>
      %swap3A_50 = arith.constant 0 : index
      %swap3A_51 = vector.load %arg6[%swap3A_50] : memref<256xi32, #tpu.memory_space<vmem>>, vector<256xi32>
      tpu.vector_store %arg6[%swap3A_50], %squeeze3A {strides = array<i32>} : memref<256xi32, #tpu.memory_space<vmem>>, vector<256xi32>,
      %swap3A_52 = arith.constant 0 : index
      %swap3A_53 = arith.constant 0 : index
      %swap3A_54 = vector.load %arg7[%swap3A_52, %swap3A_53] : memref<256x1xi32, #tpu.memory_space<vmem>>, vector<256x1xi32>
      tpu.vector_store %arg7[%swap3A_52, %swap3A_53], %broadcast_in_dim3A_49 {strides = array<i32>} : memref<256x1xi32, #tpu.memory_space<vmem>>, vector<256x1xi32>,
    } else {
    }
    return
  }
  func.func @transform_0(%arg0: i32) -> (i32, i32, i32, i32) {
    %c0_i32 = arith.constant 0 : i32
    %c0_i32_0 = arith.constant 0 : i32
    %c0_i32_1 = arith.constant 0 : i32
    %c0_i32_2 = arith.constant 0 : i32
    return %c0_i32, %arg0, %c0_i32_0, %c0_i32_1 : i32, i32, i32, i32
  }
  func.func @transform_1(%arg0: i32) -> (i32, i32) {
    %c0_i32 = arith.constant 0 : i32
    %c0_i32_0 = arith.constant 0 : i32
    %c0_i32_1 = arith.constant 0 : i32
    return %c0_i32, %c0_i32_0 : i32, i32
  }
  func.func @transform_2(%arg0: i32) -> (i32, i32) {
    %c0_i32 = arith.constant 0 : i32
    %c0_i32_0 = arith.constant 0 : i32
    %c0_i32_1 = arith.constant 0 : i32
    return %c0_i32, %c0_i32_0 : i32, i32
  }
  func.func @transform_3(%arg0: i32) -> (i32, i32) {
    %c0_i32 = arith.constant 0 : i32
    %c0_i32_0 = arith.constant 0 : i32
    %c0_i32_1 = arith.constant 0 : i32
    return %c0_i32, %c0_i32_0 : i32, i32
  }
  func.func @transform_4(%arg0: i32) -> (i32, i32) {
    %c0_i32 = arith.constant 0 : i32
    %c0_i32_0 = arith.constant 0 : i32
    %c0_i32_1 = arith.constant 0 : i32
    return %c0_i32, %c0_i32_0 : i32, i32
  }
  func.func @transform_5(%arg0: i32) -> i32 {
    %c0_i32 = arith.constant 0 : i32
    %c0_i32_0 = arith.constant 0 : i32
    return %c0_i32 : i32
  }
  func.func @transform_6(%arg0: i32) -> (i32, i32) {
    %c0_i32 = arith.constant 0 : i32
    %c0_i32_0 = arith.constant 0 : i32
    %c0_i32_1 = arith.constant 0 : i32
    return %c0_i32, %c0_i32_0 : i32, i32
  }
}

module attributes {stable_mosaic.version = 14 : i64} {
  func.func @_tc_combine_body(%arg0: i32, %arg1: memref<3x256xf32, #tpu.memory_space<vmem>>, %arg2: memref<128x1xi32, #tpu.memory_space<vmem>>, %arg3: memref<3x16x1000xf32, #tpu.memory_space<vmem>>, %arg4: memref<16x1000xf32, #tpu.memory_space<vmem>>, %arg5: memref<128x1000xf32, #tpu.memory_space<vmem>>) attributes {dimension_semantics = [#tpu.dimension_semantics<arbitrary>], iteration_bounds = array<i64: 1>, scalar_prefetch = 0 : i64, scratch_operands = 0 : i64, tpu.core_type = #tpu.core_type<tc>, window_params = [{pipeline_mode = #tpu.pipeline_mode<synchronous>, transform_indices = @transform_0, window_bounds = array<i64: 3, 256>}, {transform_indices = @transform_1, window_bounds = array<i64: 128, 1>}, {pipeline_mode = #tpu.pipeline_mode<synchronous>, transform_indices = @transform_2, window_bounds = array<i64: 3, 16, 1000>}, {pipeline_mode = #tpu.pipeline_mode<synchronous>, transform_indices = @transform_3, window_bounds = array<i64: 16, 1000>}, {pipeline_mode = #tpu.pipeline_mode<synchronous>, transform_indices = @transform_4, window_bounds = array<i64: 128, 1000>}]} {
    %get3A = arith.constant 0 : index
    %get3A_0 = arith.constant 0 : index
    %get3A_1 = vector.load %arg1[%get3A, %get3A_0] : memref<3x256xf32, #tpu.memory_space<vmem>>, vector<3x256xf32>
    %iota3A = tpu.iota {dimensions = array<i32: 0>} : vector<3x3xi32>
    %transpose3A = tpu.transpose %iota3A, [1, 0] : vector<3x3xi32> -> vector<3x3xi32>
    %eq3A = arith.cmpi eq, %iota3A, %transpose3A : vector<3x3xi32>
    %convert_element_type3A = arith.extui %eq3A : vector<3x3xi1> to vector<3x3xi32>
    %convert_element_type3A_2 = arith.sitofp %convert_element_type3A : vector<3x3xi32> to vector<3x3xf32>
    %dot_general3A = arith.constant dense<0.000000e+00> : vector<256x3xf32>
    %dot_general3A_3 = tpu.matmul %get3A_1, %convert_element_type3A_2, %dot_general3A {dimension_numbers = #tpu.dot_dimension_numbers<[0], [0], [1], [1], [0, 1, 1, 1], [], []>, transpose_lhs_hint = false} : vector<3x256xf32>, vector<3x3xf32>, vector<256x3xf32> -> vector<256x3xf32>
    %iota3A_4 = tpu.iota {dimensions = array<i32: 1>} : vector<128x16xi32>
    %get3A_5 = arith.constant 0 : index
    %get3A_6 = arith.constant 0 : index
    %get3A_7 = vector.load %arg2[%get3A_5, %get3A_6] : memref<128x1xi32, #tpu.memory_space<vmem>>, vector<128x1xi32>
    %eq3A_8 = vector.broadcast %get3A_7 : vector<128x1xi32> to vector<128x16xi32>
    %eq3A_9 = arith.cmpi eq, %iota3A_4, %eq3A_8 : vector<128x16xi32>
    %convert_element_type3A_10 = arith.extui %eq3A_9 : vector<128x16xi1> to vector<128x16xi32>
    %convert_element_type3A_11 = arith.sitofp %convert_element_type3A_10 : vector<128x16xi32> to vector<128x16xf32>
    %get3A_12 = arith.constant 0 : index
    %get3A_13 = arith.constant 0 : index
    %get3A_14 = vector.load %arg4[%get3A_12, %get3A_13] : memref<16x1000xf32, #tpu.memory_space<vmem>>, vector<16x1000xf32>
    %dot_general3A_15 = arith.constant dense<0.000000e+00> : vector<128x1000xf32>
    %dot_general3A_16 = tpu.matmul %convert_element_type3A_11, %get3A_14, %dot_general3A_15 {dimension_numbers = #tpu.dot_dimension_numbers<[1], [0], [0], [1], [0, 0, 1, 1], [], []>, transpose_lhs_hint = false} : vector<128x16xf32>, vector<16x1000xf32>, vector<128x1000xf32> -> vector<128x1000xf32>
    %slice3A = vector.extract_strided_slice %dot_general3A_3 {offsets = [128, 0], sizes = [128, 1], strides = [1, 1]} : vector<256x3xf32> to vector<128x1xf32>
    %mul3A = vector.broadcast %slice3A : vector<128x1xf32> to vector<128x16xf32>
    %mul3A_17 = arith.mulf %convert_element_type3A_11, %mul3A : vector<128x16xf32>
    %get3A_18 = arith.constant 0 : index
    %get3A_19 = arith.constant 0 : index
    %get3A_20 = arith.constant 0 : index
    %get3A_21 = vector.load %arg3[%get3A_18, %get3A_19, %get3A_20] : memref<3x16x1000xf32, #tpu.memory_space<vmem>>, vector<1x16x1000xf32>
    %get3A_22 = vector.shape_cast %get3A_21 : vector<1x16x1000xf32> to vector<16x1000xf32>
    %dot_general3A_23 = arith.constant dense<0.000000e+00> : vector<128x1000xf32>
    %dot_general3A_24 = tpu.matmul %mul3A_17, %get3A_22, %dot_general3A_23 {dimension_numbers = #tpu.dot_dimension_numbers<[1], [0], [0], [1], [0, 0, 1, 1], [], []>, transpose_lhs_hint = false} : vector<128x16xf32>, vector<16x1000xf32>, vector<128x1000xf32> -> vector<128x1000xf32>
    %add3A = arith.addf %dot_general3A_16, %dot_general3A_24 : vector<128x1000xf32>
    %slice3A_25 = vector.extract_strided_slice %dot_general3A_3 {offsets = [128, 1], sizes = [128, 1], strides = [1, 1]} : vector<256x3xf32> to vector<128x1xf32>
    %mul3A_26 = vector.broadcast %slice3A_25 : vector<128x1xf32> to vector<128x16xf32>
    %mul3A_27 = arith.mulf %convert_element_type3A_11, %mul3A_26 : vector<128x16xf32>
    %get3A_28 = arith.constant 1 : index
    %get3A_29 = arith.constant 0 : index
    %get3A_30 = arith.constant 0 : index
    %get3A_31 = vector.load %arg3[%get3A_28, %get3A_29, %get3A_30] : memref<3x16x1000xf32, #tpu.memory_space<vmem>>, vector<1x16x1000xf32>
    %get3A_32 = vector.shape_cast %get3A_31 : vector<1x16x1000xf32> to vector<16x1000xf32>
    %dot_general3A_33 = arith.constant dense<0.000000e+00> : vector<128x1000xf32>
    %dot_general3A_34 = tpu.matmul %mul3A_27, %get3A_32, %dot_general3A_33 {dimension_numbers = #tpu.dot_dimension_numbers<[1], [0], [0], [1], [0, 0, 1, 1], [], []>, transpose_lhs_hint = false} : vector<128x16xf32>, vector<16x1000xf32>, vector<128x1000xf32> -> vector<128x1000xf32>
    %add3A_35 = arith.addf %add3A, %dot_general3A_34 : vector<128x1000xf32>
    %slice3A_36 = vector.extract_strided_slice %dot_general3A_3 {offsets = [128, 2], sizes = [128, 1], strides = [1, 1]} : vector<256x3xf32> to vector<128x1xf32>
    %mul3A_37 = vector.broadcast %slice3A_36 : vector<128x1xf32> to vector<128x16xf32>
    %mul3A_38 = arith.mulf %convert_element_type3A_11, %mul3A_37 : vector<128x16xf32>
    %get3A_39 = arith.constant 2 : index
    %get3A_40 = arith.constant 0 : index
    %get3A_41 = arith.constant 0 : index
    %get3A_42 = vector.load %arg3[%get3A_39, %get3A_40, %get3A_41] : memref<3x16x1000xf32, #tpu.memory_space<vmem>>, vector<1x16x1000xf32>
    %get3A_43 = vector.shape_cast %get3A_42 : vector<1x16x1000xf32> to vector<16x1000xf32>
    %dot_general3A_44 = arith.constant dense<0.000000e+00> : vector<128x1000xf32>
    %dot_general3A_45 = tpu.matmul %mul3A_38, %get3A_43, %dot_general3A_44 {dimension_numbers = #tpu.dot_dimension_numbers<[1], [0], [0], [1], [0, 0, 1, 1], [], []>, transpose_lhs_hint = false} : vector<128x16xf32>, vector<16x1000xf32>, vector<128x1000xf32> -> vector<128x1000xf32>
    %add3A_46 = arith.addf %add3A_35, %dot_general3A_45 : vector<128x1000xf32>
    %swap3A = arith.constant 0 : index
    %swap3A_47 = arith.constant 0 : index
    %swap3A_48 = vector.load %arg5[%swap3A, %swap3A_47] : memref<128x1000xf32, #tpu.memory_space<vmem>>, vector<128x1000xf32>
    tpu.vector_store %arg5[%swap3A, %swap3A_47], %add3A_46 {strides = array<i32>} : memref<128x1000xf32, #tpu.memory_space<vmem>>, vector<128x1000xf32>,
    return
  }
  func.func @transform_0(%arg0: i32) -> (i32, i32) {
    %c0_i32 = arith.constant 0 : i32
    %c0_i32_0 = arith.constant 0 : i32
    %c0_i32_1 = arith.constant 0 : i32
    return %c0_i32, %c0_i32_0 : i32, i32
  }
  func.func @transform_1(%arg0: i32) -> (i32, i32) {
    %c1_i32 = arith.constant 1 : i32
    %c0_i32 = arith.constant 0 : i32
    %c0_i32_0 = arith.constant 0 : i32
    return %c1_i32, %c0_i32 : i32, i32
  }
  func.func @transform_2(%arg0: i32) -> (i32, i32, i32) {
    %c0_i32 = arith.constant 0 : i32
    %c0_i32_0 = arith.constant 0 : i32
    %c0_i32_1 = arith.constant 0 : i32
    %c0_i32_2 = arith.constant 0 : i32
    return %c0_i32, %c0_i32_0, %c0_i32_1 : i32, i32, i32
  }
  func.func @transform_3(%arg0: i32) -> (i32, i32) {
    %c0_i32 = arith.constant 0 : i32
    %c0_i32_0 = arith.constant 0 : i32
    %c0_i32_1 = arith.constant 0 : i32
    return %c0_i32, %c0_i32_0 : i32, i32
  }
  func.func @transform_4(%arg0: i32) -> (i32, i32) {
    %c0_i32 = arith.constant 0 : i32
    %c0_i32_0 = arith.constant 0 : i32
    %c0_i32_1 = arith.constant 0 : i32
    return %c0_i32, %c0_i32_0 : i32, i32
  }
}

</mosaic_0001>

<sc_bundles>
// kernel: kernel.5.cloned.1.call-start
scs
__scs_entry_jumppad:
0x0: {  	(pc) =	sbr.rel $0x88, $3  }
0x1: {  	(tag) =	ssettag $0x0;
	lr =	simm.s32 $0x1  }
0x2: {  	[smem:$0x3F9C] =	sst lr;
	_ =	strace $0xD0000000  }
0x3: {  	_ = 	snop  }
0x4: {  	_ = 	snop  }
0x5: {  	_ = 	snop  }
0x6: {  	_ = 	snop  }
0x7: {  	_ = 	snop  }
__scs_overlays_trampoline_lowered:
0x8: {  	[smem:$0x3FAB] =	sst s0  }
0x9: {  	[smem:$0x3FAC] =	sst s1  }
0xa: {  	[smem:$0x3FAD] =	sst s2  }
0xb: {  	[smem:$0x3FAE] =	sst s3  }
0xc: {  	[smem:$0x3FAF] =	sst s4  }
0xd: {  	[smem:$0x3FB0] =	sst s5  }
0xe: {  	[smem:$0x3FB1] =	sst s6  }
0xf: {  	[smem:$0x3FB2] =	sst s7  }
0x10: {  	[smem:$0x3FB3] =	sst s8  }
0x11: {  	[smem:$0x3FB4] =	sst s9;
	s0 =	simm.s32 @!p0 $0x0  }
0x12: {  	s1 =	sld [smem:$0x3F9A];
	s0 =	simm.s32 @p0 $0x1  }
0x13: {  	[smem:$0x3FB5] =	sst s0;
	s0 =	simm.s32 @!p1 $0x0  }
0x14: {  	s2 =	sld [smem:$0x3F99];
	s0 =	simm.s32 @p1 $0x1  }
0x15: {  	[smem:$0x3FB6] =	sst s0;
	s0 =	simm.s32 @!p2 $0x0  }
0x16: {  	s3 =	sld [smem:$0x3FDB];
	s0 =	simm.s32 @p2 $0x1  }
0x17: {  	s4 =	simm.s32 $0x1BF5;
	[smem:$0x3FB8] =	sst s0  }
0x18: {  	s0 =	sld [smem:$0x3F9B];
	_ =	swait.ge [sflag:s4], $0x0  }
0x19: {  	s7 =	sld [smem:$0x3F9C]  }
0x1a: {  	s8 =	sadd.s32 $0xFFFFE003, lr  }
0x1b: {  	s9 =	sadd.s32 $0xFFFFFEF7, lr;
	s5 =	simm.s32 $0xFFFFFFFF;
	p2 =	slt.u32 s8, $0xFFFFF086  }
0x1c: {  	p1 =	slt.u32 s9, $0xF7A;
	s5 =	simm.s32 @!p2 $0x0  }
0x1d: {  	s5 =	simm.s32 @p1 $0x1;
	p0 =	seq.s32 s7, s2  }
0x1e: {  	s7 =	smul.u32 @!p0 $0xF7A, s2;
	p2 =	seq.s32 @!p0 s5, $0x0  }
0x1f: {  	s9 =	smul.u32 $0xF7A, s1;
	s8 =	simm.s32 @!p0 $0x1BF5;
	p2 =	por !p2, p0  }
0x20: {  	[sflag:s8] =	ssyncset.s32 @!p0 $0xFFFFF086;
	s6 =	sadd.s32 @!p0 s3, s7;
	s7 =	simm.s32 @!p0 $0x108  }
0x21: {  	s3 =	sadd.s32 s3, s9;
	s6 =	sadd.s32 @!p0 $0x88, s6;
	s7 =	simm.s32 @p2 $0x1082  }
0x22: {  	[simem:s7], [sflag:s8] =	dma.local @!p0 [hbm:s6], $0xF7A  }
0x23: {  	s9 =	sor.u32 $0xD0000000, s2;
	s6 =	simm.s32 $0x108;
	_ =	swait.ge @!p0 [sflag:s8], $0x0  }
0x24: {  	s3 =	sadd.s32 $0x88, s3;
	s6 =	simm.s32 @!p1 $0x1082;
	[sflag:s4] =	ssyncset.s32 $0xFFFFF086  }
0x25: {  	[simem:s6], [sflag:s4] =	dma.local [hbm:s3], $0xF7A  }
0x26: {  	[smem:$0x3F9C] =	sst s1;
	(tag) =	ssettag s2;
	_ =	strace s9  }
0x27: {  	s1 =	sld [smem:$0x3FAC]  }
0x28: {  	s2 =	sld [smem:$0x3FAD]  }
0x29: {  	s4 =	sld [smem:$0x3FAF]  }
0x2a: {  	p0 =	seq.s32 s5, $0x0;
	s5 =	sld [smem:$0x3FB0]  }
0x2b: {  	s6 =	sld [smem:$0x3FB1]  }
0x2c: {  	s7 =	sld [smem:$0x3FB2]  }
0x2d: {  	s3 =	simm.s32 $0x108;
	s8 =	sld [smem:$0x3FB3]  }
0x2e: {  	s3 =	simm.s32 @!p0 $0x1082;
	s9 =	sld [smem:$0x3FB4]  }
0x2f: {  	lr =	sadd.s32 s0, s3;
	s0 =	sld [smem:$0x3FAB]  }
0x30: {  	s3 =	sld [smem:$0x3FAE]  }
0x31: {  	[smem:$0x3FB7] =	sst s10  }
0x32: {  	s10 =	sld [smem:$0x3FB5];
	_ =	sdelay $0x3  }
0x33: {  	p0 =	seq.s32 s10, $0x1;
	s10 =	sld [smem:$0x3FB7];
	_ =	sdelay $0x3  }
0x34: {  	[smem:$0x3FB7] =	sst s10  }
0x35: {  	s10 =	sld [smem:$0x3FB6];
	_ =	sdelay $0x3  }
0x36: {  	p1 =	seq.s32 s10, $0x1;
	s10 =	sld [smem:$0x3FB7];
	_ =	sdelay $0x3  }
0x37: {  	[smem:$0x3FB7] =	sst s10  }
0x38: {  	s10 =	sld [smem:$0x3FB8]  }
0x39: {  	_ = 	snop;
	(pc) =	sbr.ind lr, $3  }
0x3a: {  	_ = 	snop  }
0x3b: {  	_ = 	snop  }
0x3c: {  	p2 =	seq.s32 s10, $0x1;
	s10 =	sld [smem:$0x3FB7]  }
0x3d: {  	_ =	shalt  }
0x3e: {  	_ =	shalt  }
0x3f: {  	_ =	shalt  }
0x40: {  	_ =	shalt  }
0x41: {  	_ =	shalt  }
0x42: {  	_ =	shalt  }
0x43: {  	_ =	shalt  }
0x44: {  	_ =	shalt  }
0x45: {  	_ =	shalt  }
0x46: {  	_ =	shalt  }
0x47: {  	_ =	shalt  }
0x48: {  	_ =	shalt  }
0x49: {  	_ =	shalt  }
0x4a: {  	_ =	shalt  }
0x4b: {  	_ =	shalt  }
0x4c: {  	_ =	shalt  }
0x4d: {  	_ =	shalt  }
0x4e: {  	_ =	shalt  }
0x4f: {  	_ =	shalt  }
0x50: {  	_ =	shalt  }
0x51: {  	_ =	shalt  }
0x52: {  	_ =	shalt  }
0x53: {  	_ =	shalt  }
0x54: {  	_ =	shalt  }
0x55: {  	_ =	shalt  }
0x56: {  	_ =	shalt  }
0x57: {  	_ =	shalt  }
0x58: {  	_ =	shalt  }
0x59: {  	_ =	shalt  }
0x5a: {  	_ =	shalt  }
0x5b: {  	_ =	shalt  }
0x5c: {  	_ =	shalt  }
0x5d: {  	_ =	shalt  }
0x5e: {  	_ =	shalt  }
0x5f: {  	_ =	shalt  }
0x60: {  	_ =	shalt  }
0x61: {  	_ =	shalt  }
0x62: {  	_ =	shalt  }
0x63: {  	_ =	shalt  }
0x64: {  	_ =	shalt  }
0x65: {  	_ =	shalt  }
0x66: {  	_ =	shalt  }
0x67: {  	_ =	shalt  }
0x68: {  	_ =	shalt  }
0x69: {  	_ =	shalt  }
0x6a: {  	_ =	shalt  }
0x6b: {  	_ =	shalt  }
0x6c: {  	_ =	shalt  }
0x6d: {  	_ =	shalt  }
0x6e: {  	_ =	shalt  }
0x6f: {  	_ =	shalt  }
0x70: {  	_ =	shalt  }
0x71: {  	_ =	shalt  }
0x72: {  	_ =	shalt  }
0x73: {  	_ =	shalt  }
0x74: {  	_ =	shalt  }
0x75: {  	_ =	shalt  }
0x76: {  	_ =	shalt  }
0x77: {  	_ =	shalt  }
0x78: {  	_ =	shalt  }
0x79: {  	_ =	shalt  }
0x7a: {  	_ =	shalt  }
0x7b: {  	_ =	shalt  }
0x7c: {  	_ =	shalt  }
0x7d: {  	_ =	shalt  }
0x7e: {  	_ =	shalt  }
0x7f: {  	_ =	shalt  }
0x80: {  	_ =	shalt  }
0x81: {  	_ =	shalt  }
0x82: {  	_ =	shalt  }
0x83: {  	_ =	shalt  }
0x84: {  	_ =	shalt  }
0x85: {  	_ =	shalt  }
0x86: {  	_ =	shalt  }
0x87: {  	_ =	shalt  }
.Lfunc_end0:
.L_simem_size_0:
called_computation_lowered:
.L_overlay_start_0:
0x88: {  	s2 =	sld [smem:$0x3FD9]  }
0x89: {  	s3 =	sld [smem:$0x3FFE];
	_ =	sdelay $0x1  }
0x8a: {  	s1 =	srdreg.scid  }
0x8b: {  	s0 =	sand.u32 $0x1, s1  }
0x8c: {  	s14 =	sshll.u32 s0, $0xA;
	s2 =	sadd.s32 s3, s2  }
0x8d: {  	s2 =	sadd.s32 s2, s14  }
0x8e: {  	[smem:$0x3FC3] =	sst s2  }
0x8f: {  	_ = 	snop  }
0x90: {  	s2 =	sld [smem:$0x3FD0];
	_ =	sdelay $0x2  }
0x91: {  	s15 =	simm.s32 $0xA;
	s4 =	simm.s32 $0x10  }
0x92: {  	[smem:s4], [sflag:s15] =	dma.local [hbm:s2], $0x1  }
0x93: {  	_ =	swait.eq [sflag:s15], $0x1  }
0x94: {  	[sflag:s15] =	ssyncset.done $0x0  }
0x95: {  	[sflag:s15] =	ssyncadd.s32 $0xFFFFFFFF  }
0x96: {  	s16 =	sld [smem:$0x10];
	(tm) =	ssettm $0x1  }
0x97: {  	s17 =	sld [smem:$0x3FFB];
	_ =	sdelay $0x3  }
0x98: {  	_ =	strace s17  }
0x99: {  	s3 =	sld [smem:$0x3FFC];
	_ =	sdelay $0x3  }
0x9a: {  	_ =	strace s3  }
0x9b: {  	s3 =	sld [smem:$0x3FFD];
	_ =	sdelay $0x3  }
0x9c: {  	_ =	strace s3  }
0x9d: {  	_ =	strace $0x8FFFFFFF  }
0x9e: {  	s18 =	sld [smem:$0x3FDB];
	_ =	sdelay $0x1  }
0x9f: {  	s19 =	simm.s32 $_scs_section_size  }
0xa0: {  	s5 =	simm.s32 $_size__tile_overlayer_lowered;
	s6 =	simm.s32 $_tile_overlayer_lowered  }
0xa1: {  	s22 =	simm.s32 $0x1BFF;
	s21 =	sshll.u32 s6, $0x1;
	s3 =	sadd.s32 s19, s18  }
0xa2: {  	s7 =	simm.s32 $0x0;
	s20 =	sshll.u32 s5, $0x1;
	s5 =	sadd.s32 s21, s3  }
0xa3: {  	[timem:s7], [sflag:s22] =	dma.local [hbm:s5], s20  }
0xa4: {  	_ =	swait.ge [sflag:s22], s20  }
0xa5: {  	s4 =	ssub.s32 $0x0, s20;
	[sflag:s22] =	ssyncset.done $0x0  }
0xa6: {  	[sflag:s22] =	ssyncadd.s32 s4;
	_ =	sdelay $0x1  }
0xa7: {  	s23 =	simm.s32 $0x1B8B  }
0xa8: {  	_ =	swait.ge [sflag:s23], $0x1  }
0xa9: {  	[sflag:s23] =	ssyncset.done $0x0  }
0xaa: {  	s25 =	simm.s32 $0x1B8E;
	s24 =	sld [smem:$0x3FFE];
	[sflag:s23] =	ssyncadd.s32 $0xFFFFFFFF  }
0xab: {  	s26 =	simm.s32 $execute0_lowered;
	[smem:$0x3FD2] =	sst s25  }
0xac: {  	s5 =	sshll.u32 s26, $0x1;
	_ =	strace $0x80000046;
	[dreg:$0x1] =	wrdreg $0xFFFFFFFF  }
0xad: {  	s28 =	simm.s32 $_size_execute0_lowered;
	s3 =	sadd.s32 s3, s5;
	[dreg:$0x0] =	wrdreg $0x0  }
0xae: {  	s5 =	sshll.u32 s28, $0x1;
	[dreg:$0x2] =	wrdreg s3  }
0xaf: {  	[dreg:$0x3] =	wrdreg s5  }
0xb0: {  	[dreg:$0x4] =	wrdreg $0xC0  }
0xb1: {  	_ =	task [dreg:s7], $0x5FFFF  }
0xb2: {  	[dreg:$0x1] =	wrdreg $0xFFFFFFFF  }
0xb3: {  	[dreg:$0x0] =	wrdreg $0x60  }
0xb4: {  	[dreg:$0x2] =	wrdreg s24  }
0xb5: {  	[dreg:$0x3] =	wrdreg s16  }
0xb6: {  	[dreg:$0x4] =	wrdreg $0x9  }
0xb7: {  	_ =	task.clear_ibuf [dreg:s7], $0x5FFFF;
	_ =	strace $0x90000046  }
0xb8: {  	s29 =	simm.s32 $0x9;
	_ =	strace $0x80000048  }
0xb9: {  	_ =	swait.ge [sflag:s29], $0x1  }
0xba: {  	[sflag:s29] =	ssyncadd.s32 $0xFFFFFFFF  }
0xbb: {  	_ =	strace $0x90000048  }
0xbc: {  	_ =	sfence  }
0xbd: {  	s30 =	sld [smem:$0x0];
	_ =	sdelay $0x2  }
0xbe: {  	s31 =	sshll.u32 s1, $0xD;
	s1 =	sshrl.u32 s1, $0x2  }
0xbf: {  	s3 =	sand.u32 $0x4000, s31;
	s1 =	sadd.s32 s1, s30  }
0xc0: {  	s0 =	sor.u32 s3, s0;
	s1 =	sshll.u32 s1, $0x11  }
0xc1: {  	s0 =	sor.u32 s1, s0  }
0xc2: {  	s0 =	sadd.s32 $0x8F2B, s0  }
0xc3: {  	[sflag:s0] =	ssyncadd.remote.s32 $0x1  }
0xc4: {  	_ =	sfence.sel $0xFFFF  }
0xc5: {  	[dreg:$0x0] =	wrdreg $0xFFFFFFFF;
	(pc) =	sbr.abs _section_cstart, $3  }
0xc6: {  	[dreg:$0x1] =	wrdreg $0xFFFFFFFF  }
0xc7: {  	_ =	task.clear_ibuf [dreg:s7], $0x2FFFF;
	_ =	strace $0x9FFFFFFF  }
0xc8: {  	(tm) =	ssettm $0x7FFFFFFF  }
0xc9: {  	_ =	shalt  }
tec
execute0_lowered:
.L_overlay_start_1:
0x0: {  	(tag) =	ssettag $0x1  }
0x1: {  	s0 =	srdreg.scid;
	s13 =	rddreg [dreg:$0x0]  }
0x2: {  	s18 =	stileid.u32;
	s14 =	rddreg [dreg:$0x1];
	s2 =	simm.s32 $0x0  }
0x3: {  	s3 =	simm.s32 $0x1;
	s23 =	simm.s32 $0x2500;
	s24 =	simm.s32 $0x2D00  }
0x4: {  	s28 =	simm.s32 $0x2;
	s29 =	simm.s32 $0x200;
	s30 =	simm.s32 $0x4500  }
0x5: {  	s31 =	simm.s32 $0x0;
	s0 =	sand.u32 $0x1, s0;
	s1 =	sshll.u32 s18, $0x1  }
0x6: {  	[smem:$0x7FF] =	sst s2;
	s6 =	sadd.s32 $0x1400, s13;
	s11 =	sadd.s32 $0x2400, s13  }
0x7: {  	s12 =	sadd.s32 $0x2600, s13;
	s26 =	sshll.u32 s18, $0xA;
	s1 =	sor.u32 s0, s1  }
0x8: {  	p1 =	seq.s32 s0, $0x1;
	_ =	strace $0x80000047;
	s8 =	ssub.s32 $0x2, s0  }
0x9: {  	v0 =	vlaneseq.u32;
	s10 =	sshll.u32 s0, $0x2;
	s0 =	sshll.u32 s0, $0x6;
	p0 =	seq.s32 s1, $0x0  }
0xa: {  	s9 =	sshrl.u32 s8, $0x1;
	s16 =	sshll.u32 s1, $0x2;
	v1 =	vor.u32 s10, v0;
	s10 =	sadd.s32 $0x2200, s13  }
0xb: {  	vm0 =	vmmov $0xf;
	v15 =	vshrl.u32 v0, $0x2;
	v14 =	vand.u32 $0x3, v0;
	s1 =	sshllo.u32 s1, $0x2;
	s0 =	sadd.s32 s14, s0;
	p0 =	por !p0, !p1  }
0xc: {  	v15 =	vmul.u32 $0x8, v15;
	s15 =	ssub.s32 s8, s9;
	s8 =	sadd.s32 $0x1E00, s13;
	s17 =	sor.u32 $0x1, s16;
	v1 =	vnsel vm0, $0x0, v1;
	v2 =	vmov s16  }
0xd: {  	s9 =	sadd.s32 $0x2000, s13;
	s25 =	sor.u32 $0x2, s16;
	v6 =	vmov s1;
	vm0 =	vmmov $0xffff;
	p0 =	por !p0, !p0;
	v3 =	vmov s17  }
0xe: {  	s14 =	sadd.s32 s26, s0;
	s16 =	simm.s32 $0x3;
	v4 =	vmov s25;
	v8 =	vand.u32 $0x7FFFFE7F, v6;
	s3 =	simm.s32 @!p0 $0x0;
	v3 =	vand.u32 $0x7FFFFE7D, v3  }
0xf: {  	s26 =	simm.s32 $0x3D00;
	s15 =	smax.u32 s15, $0x1;
	v5 =	vand.u32 $0x7FFFFE7E, v4;
	v8 =	vbroadcast v8, $0x0;
	s4 =	ssub.s32 s18, s3;
	v3 =	vbroadcast v3, $0x0  }
0x10: {  	s17 =	simm.s32 $0x400;
	v6 =	vor.u32 $0x100, v2;
	s25 =	simm.s32 $0x3500;
	v4 =	vor.u32 $0x80, v2;
	v5 =	vbroadcast v5, $0x0;
	s5 =	sand.u32 $0x1FFFFFFF, s4  }
0x11: {  	s3 =	sadd.s32 $0x3400, s13;
	s4 =	simm.s32 $0x1;
	v12 =	vor.u32 $0x80, v8;
	v13 =	vor.u32 $0x100, v8;
	s7 =	sadd.s32 s5, s13;
	v7 =	vor.u32 $0x80, v3  }
0x12: {  	s5 =	sadd.s32 $0x1C00, s13;
	s13 =	sadd.s32 $0x1600, s13;
	v9 =	vor.u32 $0x100, v3;
	v10 =	vor.u32 $0x80, v5;
	v11 =	vor.u32 $0x100, v5;
	s7 =	sadd.s32 $0x3600, s7  }
.LBB2_1:
0x13: {  	[tilespmem:s2], [sflag:$0x3] =	stream.linear.gather [hbm4b:s3+s2], $0x400, $0x38;
	[tilespmem:$0x5500] =	vst v63  }
0x14: {  	_ =	swait.ge [sflag:s16], $0x400  }
0x15: {  	[sflag:s16] =	ssyncset.done $0x0  }
0x16: {  	[sflag:s16] =	ssyncadd.s32 $0xFFFFFC00  }
0x17: {  	[tilespmem:s17], [sflag:$0x3] =	stream.linear.gather [hbm4b:s7+s2], $0x8, $0x38;
	[tilespmem:$0x5500] =	vst v63  }
0x18: {  	_ =	swait.ge [sflag:s16], $0x8  }
0x19: {  	[sflag:s16] =	ssyncset.done $0x0  }
0x1a: {  	[sflag:s16] =	ssyncadd.s32 $0xFFFFFFF8  }
0x1b: {  	v16 =	vld.idx.msk [tilespmem:v1+s17+$0x0], $0xffff;
	_ =	sdelay $0x3  }
0x1c: {  	s0 =	simm.s32 $0x480  }
0x1d: {  	[tilespmem:v0+s0+$0x0] =	vst.idx.msk $0xf, v16  }
0x1e: {  	v16 =	vld.msk [tilespmem:$0x480], $0xf;
	_ =	sdelay $0x4  }
0x1f: {  	v17 =	vshrl.u32 v16, $0x3  }
0x20: {  	v17 =	vmul.u32 $0xC0, v17  }
0x21: {  	v16 =	vand.u32 $0x7, v16  }
0x22: {  	v16 =	vor.u32 v16, v17  }
0x23: {  	v16 =	vperm.xlane v16, v14;
	_ =	sdelay $0x1  }
0x24: {  	v16 =	vadd.s32 v15, v16;
	_ =	sdelay $0x3  }
0x25: {  	s19 =	simm.s32 $0x500  }
0x26: {  	[tilespmem:s19], [sflag:$0x1] =	stream.indirect_vreg.gather [hbm4b:s5+s2], $0x80, v16, vm0, $0xb8;
	[tilespmem:$0x5500] =	vst v63  }
0x27: {  	s20 =	simm.s32 $0xD00  }
0x28: {  	[tilespmem:s20], [sflag:$0x1] =	stream.indirect_vreg.gather [hbm4b:s8+s2], $0x80, v16, vm0, $0xb8;
	[tilespmem:$0x5500] =	vst v63  }
0x29: {  	s21 =	simm.s32 $0x1500  }
0x2a: {  	[tilespmem:s21], [sflag:$0x1] =	stream.indirect_vreg.gather [hbm4b:s9+s2], $0x80, v16, vm0, $0xb8;
	[tilespmem:$0x5500] =	vst v63  }
0x2b: {  	s22 =	simm.s32 $0x1D00  }
0x2c: {  	[tilespmem:s22], [sflag:$0x1] =	stream.indirect_vreg.gather [hbm4b:s10+s2], $0x80, v16, vm0, $0xb8;
	[tilespmem:$0x5500] =	vst v63  }
0x2d: {  	_ = 	snop  }
0x2e: {  	[tilespmem:s23], [sflag:$0x1] =	stream.indirect_vreg.gather [hbm4b:s11+s2], $0x80, v16, vm0, $0xb8;
	[tilespmem:$0x5500] =	vst v63  }
0x2f: {  	_ = 	snop  }
0x30: {  	[tilespmem:s24], [sflag:$0x1] =	stream.indirect_vreg.gather [hbm4b:s12+s2], $0x80, v16, vm0, $0xb8;
	[tilespmem:$0x5500] =	vst v63  }
0x31: {  	v16 =	vld.msk [tilespmem:$0x480], $0xf;
	_ =	sdelay $0x4  }
0x32: {  	v17 =	vshll.u32 v16, $0x3  }
0x33: {  	v16 =	vand.u32 $0x7, v16;
	v17 =	vand.u32 $0xFFFFFFC0, v17  }
0x34: {  	v16 =	vor.u32 v16, v17  }
0x35: {  	v16 =	vperm.xlane v16, v14;
	_ =	sdelay $0x1  }
0x36: {  	v16 =	vadd.s32 v15, v16;
	_ =	sdelay $0x4  }
0x37: {  	[tilespmem:s25], [sflag:$0x2] =	stream.indirect_vreg.gather [hbm4b:s6+s2], $0x80, v16, vm0, $0xb8;
	[tilespmem:$0x5500] =	vst v63  }
0x38: {  	_ = 	snop  }
0x39: {  	[tilespmem:s26], [sflag:$0x2] =	stream.indirect_vreg.gather [hbm4b:s13+s2], $0x80, v16, vm0, $0xb8;
	[tilespmem:$0x5500] =	vst v63  }
0x3a: {  	_ =	swait.ge [sflag:s4], $0x3000  }
0x3b: {  	[sflag:s4] =	ssyncset.done $0x0  }
0x3c: {  	[sflag:s4] =	ssyncadd.s32 $0xFFFFD000  }
0x3d: {  	_ =	swait.ge [sflag:s28], $0x1000  }
0x3e: {  	[sflag:s28] =	ssyncset.done $0x0  }
0x3f: {  	[sflag:s28] =	ssyncadd.s32 $0xFFFFF000  }
0x40: {  	v16 =	vld.idx.msk [tilespmem:v2+s2+$0x0], $0xffff  }
0x41: {  	v17 =	vld.idx.msk [tilespmem:v4+s2+$0x0], $0xffff  }
0x42: {  	s1 =	simm.s32 $0x1540;
	v18 =	vld.idx.msk [tilespmem:v6+s2+$0x0], $0xffff  }
0x43: {  	v19 =	vld [tilespmem:s1+$0xFFFFEFC0]  }
0x44: {  	v20 =	vld [tilespmem:s1+$0xFFFFFFC0]  }
0x45: {  	v21 =	vld [tilespmem:s1+$0xFC0]  }
0x46: {  	s0 =	simm.s32 $0x3540  }
0x47: {  	v22 =	vld [tilespmem:s0+$0xFFFFFFC0];
	_ =	sdelay $0x1  }
0x48: {  	v20 =	vmul.f32 v20, v17  }
0x49: {  	v19 =	vmul.f32 v19, v16;
	v21 =	vmul.f32 v21, v18;
	_ =	sdelay $0x1  }
0x4a: {  	v19 =	vadd.f32 v20, v19;
	v20 =	vadd.f32 v22, v21;
	_ =	sdelay $0x1  }
0x4b: {  	v19 =	vadd.f32 v20, v19  }
0x4c: {  	s18 =	simm.s32 $0x4540  }
0x4d: {  	[tilespmem:s18+$0xFFFFFFC0] =	vst v19  }
0x4e: {  	v19 =	vld [tilespmem:s1+$0xFFFFEFD0]  }
0x4f: {  	v20 =	vld [tilespmem:s1+$0xFD0]  }
0x50: {  	v52 =	vld [tilespmem:s1+$0xFFFFFFD0];
	_ =	sdelay $0x1  }
0x51: {  	v53 =	vld [tilespmem:s0+$0xFFFFFFD0];
	_ =	sdelay $0x1  }
0x52: {  	v19 =	vmul.f32 v19, v16  }
0x53: {  	v20 =	vmul.f32 v20, v18;
	v21 =	vmul.f32 v52, v17;
	_ =	sdelay $0x1  }
0x54: {  	v19 =	vadd.f32 v21, v19;
	v20 =	vadd.f32 v53, v20;
	_ =	sdelay $0x1  }
0x55: {  	v19 =	vadd.f32 v20, v19;
	_ =	sdelay $0x1  }
0x56: {  	[tilespmem:s18+$0xFFFFFFD0] =	vst v19  }
0x57: {  	v19 =	vld [tilespmem:s1+$0xFFFFEFE0]  }
0x58: {  	v20 =	vld [tilespmem:s1+$0xFFFFFFE0]  }
0x59: {  	v54 =	vld [tilespmem:s1+$0xFE0];
	_ =	sdelay $0x1  }
0x5a: {  	v55 =	vld [tilespmem:s0+$0xFFFFFFE0];
	_ =	sdelay $0x1  }
0x5b: {  	v20 =	vmul.f32 v20, v17  }
0x5c: {  	v19 =	vmul.f32 v19, v16;
	v21 =	vmul.f32 v54, v18;
	_ =	sdelay $0x1  }
0x5d: {  	v19 =	vadd.f32 v20, v19;
	v20 =	vadd.f32 v55, v21;
	_ =	sdelay $0x1  }
0x5e: {  	v19 =	vadd.f32 v20, v19;
	_ =	sdelay $0x1  }
0x5f: {  	[tilespmem:s18+$0xFFFFFFE0] =	vst v19  }
0x60: {  	v19 =	vld [tilespmem:s1+$0xFFFFFFF0]  }
0x61: {  	v20 =	vld [tilespmem:s1+$0xFF0]  }
0x62: {  	v56 =	vld [tilespmem:s1+$0xFFFFEFF0];
	_ =	sdelay $0x1  }
0x63: {  	v57 =	vld [tilespmem:s0+$0xFFFFFFF0];
	_ =	sdelay $0x1  }
0x64: {  	v20 =	vmul.f32 v20, v18  }
0x65: {  	v21 =	vmul.f32 v56, v16;
	v19 =	vmul.f32 v19, v17;
	_ =	sdelay $0x1  }
0x66: {  	v20 =	vadd.f32 v57, v20;
	v19 =	vadd.f32 v19, v21;
	_ =	sdelay $0x1  }
0x67: {  	v19 =	vadd.f32 v20, v19;
	_ =	sdelay $0x1  }
0x68: {  	[tilespmem:s18+$0xFFFFFFF0] =	vst v19  }
0x69: {  	v19 =	vld [tilespmem:s1+$0xFFFFF000]  }
0x6a: {  	v20 =	vld [tilespmem:s1+$0x0]  }
0x6b: {  	v58 =	vld [tilespmem:s1+$0x1000];
	_ =	sdelay $0x1  }
0x6c: {  	v59 =	vld [tilespmem:s0+$0x0];
	_ =	sdelay $0x1  }
0x6d: {  	v20 =	vmul.f32 v20, v17  }
0x6e: {  	v19 =	vmul.f32 v19, v16;
	v21 =	vmul.f32 v58, v18;
	_ =	sdelay $0x1  }
0x6f: {  	v19 =	vadd.f32 v20, v19;
	v20 =	vadd.f32 v59, v21;
	_ =	sdelay $0x1  }
0x70: {  	v19 =	vadd.f32 v20, v19;
	_ =	sdelay $0x1  }
0x71: {  	[tilespmem:s18+$0x0] =	vst v19  }
0x72: {  	v19 =	vld [tilespmem:s1+$0xFFFFF010]  }
0x73: {  	v20 =	vld [tilespmem:s1+$0x10]  }
0x74: {  	v60 =	vld [tilespmem:s1+$0x1010];
	_ =	sdelay $0x1  }
0x75: {  	v61 =	vld [tilespmem:s0+$0x10];
	_ =	sdelay $0x1  }
0x76: {  	v20 =	vmul.f32 v20, v17  }
0x77: {  	v19 =	vmul.f32 v19, v16;
	v21 =	vmul.f32 v60, v18;
	_ =	sdelay $0x1  }
0x78: {  	v19 =	vadd.f32 v20, v19;
	v20 =	vadd.f32 v61, v21;
	_ =	sdelay $0x1  }
0x79: {  	v19 =	vadd.f32 v20, v19;
	_ =	sdelay $0x1  }
0x7a: {  	[tilespmem:s18+$0x10] =	vst v19  }
0x7b: {  	v19 =	vld [tilespmem:s1+$0xFFFFF020]  }
0x7c: {  	v20 =	vld [tilespmem:s1+$0x20]  }
0x7d: {  	v62 =	vld [tilespmem:s1+$0x1020];
	_ =	sdelay $0x1  }
0x7e: {  	v63 =	vld [tilespmem:s0+$0x20];
	_ =	sdelay $0x1  }
0x7f: {  	v19 =	vmul.f32 v19, v16  }
0x80: {  	v20 =	vmul.f32 v20, v17;
	v21 =	vmul.f32 v62, v18;
	_ =	sdelay $0x1  }
0x81: {  	v19 =	vadd.f32 v20, v19;
	v20 =	vadd.f32 v63, v21  }
0x82: {  	s19 =	simm.s32 $0x4540  }
0x83: {  	s20 =	simm.s32 $0x3540;
	s21 =	simm.s32 $0x0;
	s22 =	simm.s32 $0x1740;
	v19 =	vadd.f32 v20, v19  }
.LBB2_2:
0x84: {  	s21 =	sadd.s32 $0x8, s21;
	s18 =	sadd.s32 $0x200, s18;
	s0 =	sadd.s32 $0x200, s0  }
0x85: {  	p0 =	slt.u32 s21, $0x38;
	[tilespmem:s19+$0x20] =	vst v19  }
0x86: {  	v19 =	vld [tilespmem:s1+$0x1030]  }
0x87: {  	v20 =	vld [tilespmem:s1+$0xFFFFF030]  }
0x88: {  	v21 =	vld [tilespmem:s1+$0x30];
	s1 =	smov.u32 s22  }
0x89: {  	v22 =	vld [tilespmem:s20+$0x30];
	s20 =	smov.u32 s0;
	_ =	sdelay $0x1  }
0x8a: {  	v19 =	vmul.f32 v19, v18  }
0x8b: {  	v20 =	vmul.f32 v20, v16  }
0x8c: {  	v21 =	vmul.f32 v21, v17;
	_ =	sdelay $0x1  }
0x8d: {  	v19 =	vadd.f32 v22, v19;
	v20 =	vadd.f32 v21, v20;
	_ =	sdelay $0x1  }
0x8e: {  	v19 =	vadd.f32 v19, v20;
	_ =	sdelay $0x1  }
0x8f: {  	[tilespmem:s19+$0x30] =	vst v19;
	s19 =	smov.u32 s18  }
0x90: {  	v19 =	vld [tilespmem:s22+$0xFFFFEFC0]  }
0x91: {  	v20 =	vld [tilespmem:s22+$0xFFFFFFC0]  }
0x92: {  	v21 =	vld [tilespmem:s22+$0xFC0]  }
0x93: {  	v22 =	vld [tilespmem:s0+$0xFFFFFFC0];
	_ =	sdelay $0x2  }
0x94: {  	v20 =	vmul.f32 v20, v17  }
0x95: {  	v19 =	vmul.f32 v19, v16;
	v21 =	vmul.f32 v21, v18;
	_ =	sdelay $0x1  }
0x96: {  	v19 =	vadd.f32 v20, v19;
	v20 =	vadd.f32 v22, v21;
	_ =	sdelay $0x1  }
0x97: {  	v19 =	vadd.f32 v20, v19;
	_ =	sdelay $0x1  }
0x98: {  	[tilespmem:s18+$0xFFFFFFC0] =	vst v19  }
0x99: {  	v19 =	vld [tilespmem:s22+$0xFFFFEFD0]  }
0x9a: {  	v20 =	vld [tilespmem:s22+$0xFD0]  }
0x9b: {  	v21 =	vld [tilespmem:s22+$0xFFFFFFD0];
	_ =	sdelay $0x1  }
0x9c: {  	v22 =	vld [tilespmem:s0+$0xFFFFFFD0]  }
0x9d: {  	v19 =	vmul.f32 v19, v16  }
0x9e: {  	v20 =	vmul.f32 v20, v18  }
0x9f: {  	v21 =	vmul.f32 v21, v17;
	_ =	sdelay $0x1  }
0xa0: {  	v19 =	vadd.f32 v21, v19;
	v20 =	vadd.f32 v22, v20;
	_ =	sdelay $0x1  }
0xa1: {  	v19 =	vadd.f32 v20, v19;
	_ =	sdelay $0x1  }
0xa2: {  	[tilespmem:s18+$0xFFFFFFD0] =	vst v19  }
0xa3: {  	v19 =	vld [tilespmem:s22+$0xFFFFEFE0]  }
0xa4: {  	v20 =	vld [tilespmem:s22+$0xFFFFFFE0]  }
0xa5: {  	v21 =	vld [tilespmem:s22+$0xFE0];
	_ =	sdelay $0x1  }
0xa6: {  	v22 =	vld [tilespmem:s0+$0xFFFFFFE0];
	_ =	sdelay $0x1  }
0xa7: {  	v20 =	vmul.f32 v20, v17  }
0xa8: {  	v19 =	vmul.f32 v19, v16;
	v21 =	vmul.f32 v21, v18;
	_ =	sdelay $0x1  }
0xa9: {  	v19 =	vadd.f32 v20, v19;
	v20 =	vadd.f32 v22, v21;
	_ =	sdelay $0x1  }
0xaa: {  	v19 =	vadd.f32 v20, v19;
	_ =	sdelay $0x1  }
0xab: {  	[tilespmem:s18+$0xFFFFFFE0] =	vst v19  }
0xac: {  	v19 =	vld [tilespmem:s22+$0xFFFFFFF0]  }
0xad: {  	v20 =	vld [tilespmem:s22+$0xFF0]  }
0xae: {  	v21 =	vld [tilespmem:s22+$0xFFFFEFF0]  }
0xaf: {  	v22 =	vld [tilespmem:s0+$0xFFFFFFF0];
	_ =	sdelay $0x2  }
0xb0: {  	v20 =	vmul.f32 v20, v18  }
0xb1: {  	v19 =	vmul.f32 v19, v17;
	v21 =	vmul.f32 v21, v16  }
0xb2: {  	v20 =	vadd.f32 v22, v20  }
0xb3: {  	v19 =	vadd.f32 v19, v21;
	_ =	sdelay $0x1  }
0xb4: {  	v19 =	vadd.f32 v20, v19;
	_ =	sdelay $0x1  }
0xb5: {  	[tilespmem:s18+$0xFFFFFFF0] =	vst v19  }
0xb6: {  	v19 =	vld [tilespmem:s22+$0xFFFFF000]  }
0xb7: {  	v20 =	vld [tilespmem:s22+$0x0]  }
0xb8: {  	v21 =	vld [tilespmem:s22+$0x1000]  }
0xb9: {  	v22 =	vld [tilespmem:s0+$0x0];
	_ =	sdelay $0x2  }
0xba: {  	v20 =	vmul.f32 v20, v17  }
0xbb: {  	v19 =	vmul.f32 v19, v16;
	v21 =	vmul.f32 v21, v18;
	_ =	sdelay $0x1  }
0xbc: {  	v19 =	vadd.f32 v20, v19;
	v20 =	vadd.f32 v22, v21;
	_ =	sdelay $0x1  }
0xbd: {  	v19 =	vadd.f32 v20, v19;
	_ =	sdelay $0x1  }
0xbe: {  	[tilespmem:s18+$0x0] =	vst v19  }
0xbf: {  	v19 =	vld [tilespmem:s22+$0xFFFFF010]  }
0xc0: {  	v20 =	vld [tilespmem:s22+$0x10]  }
0xc1: {  	v21 =	vld [tilespmem:s22+$0x1010]  }
0xc2: {  	v22 =	vld [tilespmem:s0+$0x10];
	_ =	sdelay $0x2  }
0xc3: {  	v20 =	vmul.f32 v20, v17  }
0xc4: {  	v19 =	vmul.f32 v19, v16;
	v21 =	vmul.f32 v21, v18;
	_ =	sdelay $0x1  }
0xc5: {  	v19 =	vadd.f32 v20, v19;
	v20 =	vadd.f32 v22, v21;
	_ =	sdelay $0x1  }
0xc6: {  	v19 =	vadd.f32 v20, v19;
	_ =	sdelay $0x1  }
0xc7: {  	[tilespmem:s18+$0x10] =	vst v19  }
0xc8: {  	v19 =	vld [tilespmem:s22+$0xFFFFF020]  }
0xc9: {  	v20 =	vld [tilespmem:s22+$0x20]  }
0xca: {  	v21 =	vld [tilespmem:s22+$0x1020]  }
0xcb: {  	v22 =	vld [tilespmem:s0+$0x20];
	_ =	sdelay $0x1  }
0xcc: {  	v19 =	vmul.f32 v19, v16  }
0xcd: {  	v20 =	vmul.f32 v20, v17  }
.Ltmp0:
0xce: {  	v21 =	vmul.f32 v21, v18;
	(pc) =	sbr.rel @p0 .LBB2_2-.Ltmp0, $3  }
0xcf: {  	v19 =	vadd.f32 v20, v19  }
0xd0: {  	v20 =	vadd.f32 v22, v21;
	_ =	sdelay $0x1  }
0xd1: {  	s22 =	sadd.s32 $0x200, s22;
	v19 =	vadd.f32 v20, v19  }
0xd2: {  	_ = 	snop  }
0xd3: {  	[tilespmem:s19+$0x20] =	vst v19  }
0xd4: {  	v19 =	vld [tilespmem:s1+$0x1030]  }
0xd5: {  	v20 =	vld [tilespmem:s1+$0xFFFFF030]  }
0xd6: {  	v21 =	vld [tilespmem:s1+$0x30];
	_ =	sdelay $0x1  }
0xd7: {  	v22 =	vld [tilespmem:s20+$0x30];
	_ =	sdelay $0x1  }
0xd8: {  	v18 =	vmul.f32 v19, v18  }
0xd9: {  	v16 =	vmul.f32 v20, v16;
	v17 =	vmul.f32 v21, v17;
	_ =	sdelay $0x1  }
0xda: {  	v16 =	vadd.f32 v17, v16;
	v17 =	vadd.f32 v22, v18;
	_ =	sdelay $0x1  }
0xdb: {  	v16 =	vadd.f32 v17, v16;
	_ =	sdelay $0x1  }
0xdc: {  	[tilespmem:s19+$0x30] =	vst v16  }
0xdd: {  	v16 =	vld.idx.msk [tilespmem:v3+s2+$0x0], $0xffff  }
0xde: {  	v17 =	vld.idx.msk [tilespmem:v7+s2+$0x0], $0xffff  }
0xdf: {  	s1 =	simm.s32 $0x1580;
	v18 =	vld.idx.msk [tilespmem:v9+s2+$0x0], $0xffff  }
0xe0: {  	v19 =	vld [tilespmem:s1+$0xFFFFF000]  }
0xe1: {  	v20 =	vld [tilespmem:s1+$0x0]  }
0xe2: {  	v50 =	vld [tilespmem:s1+$0x1000]  }
0xe3: {  	s0 =	simm.s32 $0x35F0  }
0xe4: {  	v51 =	vld [tilespmem:s0+$0xFFFFFF90];
	_ =	sdelay $0x1  }
0xe5: {  	v20 =	vmul.f32 v20, v17  }
0xe6: {  	v19 =	vmul.f32 v19, v16;
	v21 =	vmul.f32 v50, v18;
	_ =	sdelay $0x1  }
0xe7: {  	v19 =	vadd.f32 v20, v19;
	v20 =	vadd.f32 v51, v21;
	_ =	sdelay $0x1  }
0xe8: {  	v19 =	vadd.f32 v20, v19  }
0xe9: {  	s18 =	simm.s32 $0x45F0  }
0xea: {  	[tilespmem:s18+$0xFFFFFF90] =	vst v19  }
0xeb: {  	v19 =	vld [tilespmem:s1+$0xFFFFF010]  }
0xec: {  	v20 =	vld [tilespmem:s1+$0x1010]  }
0xed: {  	v52 =	vld [tilespmem:s1+$0x10];
	_ =	sdelay $0x1  }
0xee: {  	v53 =	vld [tilespmem:s0+$0xFFFFFFA0];
	_ =	sdelay $0x1  }
0xef: {  	v19 =	vmul.f32 v19, v16  }
0xf0: {  	v20 =	vmul.f32 v20, v18;
	v21 =	vmul.f32 v52, v17;
	_ =	sdelay $0x1  }
0xf1: {  	v19 =	vadd.f32 v21, v19;
	v20 =	vadd.f32 v53, v20;
	_ =	sdelay $0x1  }
0xf2: {  	v19 =	vadd.f32 v20, v19;
	_ =	sdelay $0x1  }
0xf3: {  	[tilespmem:s18+$0xFFFFFFA0] =	vst v19  }
0xf4: {  	v19 =	vld [tilespmem:s1+$0xFFFFF020]  }
0xf5: {  	v20 =	vld [tilespmem:s1+$0x20]  }
0xf6: {  	v54 =	vld [tilespmem:s1+$0x1020];
	_ =	sdelay $0x1  }
0xf7: {  	v55 =	vld [tilespmem:s0+$0xFFFFFFB0];
	_ =	sdelay $0x1  }
0xf8: {  	v20 =	vmul.f32 v20, v17  }
0xf9: {  	v19 =	vmul.f32 v19, v16;
	v21 =	vmul.f32 v54, v18;
	_ =	sdelay $0x1  }
0xfa: {  	v19 =	vadd.f32 v20, v19;
	v20 =	vadd.f32 v55, v21;
	_ =	sdelay $0x1  }
0xfb: {  	v19 =	vadd.f32 v20, v19;
	_ =	sdelay $0x1  }
0xfc: {  	[tilespmem:s18+$0xFFFFFFB0] =	vst v19  }
0xfd: {  	v19 =	vld [tilespmem:s1+$0x30]  }
0xfe: {  	v20 =	vld [tilespmem:s1+$0x1030]  }
0xff: {  	v56 =	vld [tilespmem:s1+$0xFFFFF030];
	_ =	sdelay $0x1  }
0x100: {  	v57 =	vld [tilespmem:s0+$0xFFFFFFC0];
	_ =	sdelay $0x1  }
0x101: {  	v20 =	vmul.f32 v20, v18  }
0x102: {  	v21 =	vmul.f32 v56, v16;
	v19 =	vmul.f32 v19, v17;
	_ =	sdelay $0x1  }
0x103: {  	v20 =	vadd.f32 v57, v20;
	v19 =	vadd.f32 v19, v21;
	_ =	sdelay $0x1  }
0x104: {  	v19 =	vadd.f32 v20, v19;
	_ =	sdelay $0x1  }
0x105: {  	[tilespmem:s18+$0xFFFFFFC0] =	vst v19  }
0x106: {  	v19 =	vld [tilespmem:s1+$0xFFFFF040]  }
0x107: {  	v20 =	vld [tilespmem:s1+$0x40]  }
0x108: {  	v58 =	vld [tilespmem:s1+$0x1040];
	_ =	sdelay $0x1  }
0x109: {  	v59 =	vld [tilespmem:s0+$0xFFFFFFD0];
	_ =	sdelay $0x1  }
0x10a: {  	v20 =	vmul.f32 v20, v17  }
0x10b: {  	v19 =	vmul.f32 v19, v16;
	v21 =	vmul.f32 v58, v18;
	_ =	sdelay $0x1  }
0x10c: {  	v19 =	vadd.f32 v20, v19;
	v20 =	vadd.f32 v59, v21;
	_ =	sdelay $0x1  }
0x10d: {  	v19 =	vadd.f32 v20, v19;
	_ =	sdelay $0x1  }
0x10e: {  	[tilespmem:s18+$0xFFFFFFD0] =	vst v19  }
0x10f: {  	v19 =	vld [tilespmem:s1+$0xFFFFF050]  }
0x110: {  	v20 =	vld [tilespmem:s1+$0x50]  }
0x111: {  	v60 =	vld [tilespmem:s1+$0x1050];
	_ =	sdelay $0x1  }
0x112: {  	v61 =	vld [tilespmem:s0+$0xFFFFFFE0];
	_ =	sdelay $0x1  }
0x113: {  	v20 =	vmul.f32 v20, v17  }
0x114: {  	v19 =	vmul.f32 v19, v16;
	v21 =	vmul.f32 v60, v18;
	_ =	sdelay $0x1  }
0x115: {  	v19 =	vadd.f32 v20, v19;
	v20 =	vadd.f32 v61, v21;
	_ =	sdelay $0x1  }
0x116: {  	v19 =	vadd.f32 v20, v19;
	_ =	sdelay $0x1  }
0x117: {  	[tilespmem:s18+$0xFFFFFFE0] =	vst v19  }
0x118: {  	v19 =	vld [tilespmem:s1+$0xFFFFF060]  }
0x119: {  	v20 =	vld [tilespmem:s1+$0x60]  }
0x11a: {  	v62 =	vld [tilespmem:s1+$0x1060];
	_ =	sdelay $0x1  }
0x11b: {  	v63 =	vld [tilespmem:s0+$0xFFFFFFF0];
	_ =	sdelay $0x1  }
0x11c: {  	v19 =	vmul.f32 v19, v16  }
0x11d: {  	v20 =	vmul.f32 v20, v17;
	v21 =	vmul.f32 v62, v18;
	_ =	sdelay $0x1  }
0x11e: {  	v19 =	vadd.f32 v20, v19;
	v20 =	vadd.f32 v63, v21  }
0x11f: {  	s21 =	simm.s32 $0x0  }
0x120: {  	s22 =	simm.s32 $0x1780;
	s20 =	simm.s32 $0x35F0;
	s19 =	simm.s32 $0x45F0;
	v19 =	vadd.f32 v20, v19  }
.LBB2_4:
0x121: {  	s21 =	sadd.s32 $0x8, s21;
	s0 =	sadd.s32 $0x200, s0;
	s18 =	sadd.s32 $0x200, s18  }
0x122: {  	p0 =	slt.u32 s21, $0x38;
	[tilespmem:s19+$0xFFFFFFF0] =	vst v19  }
0x123: {  	v19 =	vld [tilespmem:s1+$0x1070]  }
0x124: {  	v20 =	vld [tilespmem:s1+$0xFFFFF070]  }
0x125: {  	v21 =	vld [tilespmem:s1+$0x70];
	s1 =	smov.u32 s22  }
0x126: {  	v22 =	vld [tilespmem:s20+$0x0];
	s20 =	smov.u32 s0;
	_ =	sdelay $0x1  }
0x127: {  	v19 =	vmul.f32 v19, v18  }
0x128: {  	v20 =	vmul.f32 v20, v16  }
0x129: {  	v21 =	vmul.f32 v21, v17;
	_ =	sdelay $0x1  }
0x12a: {  	v19 =	vadd.f32 v22, v19;
	v20 =	vadd.f32 v21, v20;
	_ =	sdelay $0x1  }
0x12b: {  	v19 =	vadd.f32 v19, v20;
	_ =	sdelay $0x1  }
0x12c: {  	[tilespmem:s19+$0x0] =	vst v19;
	s19 =	smov.u32 s18  }
0x12d: {  	v19 =	vld [tilespmem:s22+$0xFFFFF000]  }
0x12e: {  	v20 =	vld [tilespmem:s22+$0x0]  }
0x12f: {  	v21 =	vld [tilespmem:s22+$0x1000]  }
0x130: {  	v22 =	vld [tilespmem:s0+$0xFFFFFF90];
	_ =	sdelay $0x2  }
0x131: {  	v20 =	vmul.f32 v20, v17  }
0x132: {  	v19 =	vmul.f32 v19, v16;
	v21 =	vmul.f32 v21, v18;
	_ =	sdelay $0x1  }
0x133: {  	v19 =	vadd.f32 v20, v19;
	v20 =	vadd.f32 v22, v21;
	_ =	sdelay $0x1  }
0x134: {  	v19 =	vadd.f32 v20, v19;
	_ =	sdelay $0x1  }
0x135: {  	[tilespmem:s18+$0xFFFFFF90] =	vst v19  }
0x136: {  	v19 =	vld [tilespmem:s22+$0xFFFFF010]  }
0x137: {  	v20 =	vld [tilespmem:s22+$0x1010]  }
0x138: {  	v21 =	vld [tilespmem:s22+$0x10];
	_ =	sdelay $0x1  }
0x139: {  	v22 =	vld [tilespmem:s0+$0xFFFFFFA0]  }
0x13a: {  	v19 =	vmul.f32 v19, v16  }
0x13b: {  	v20 =	vmul.f32 v20, v18  }
0x13c: {  	v21 =	vmul.f32 v21, v17;
	_ =	sdelay $0x1  }
0x13d: {  	v19 =	vadd.f32 v21, v19;
	v20 =	vadd.f32 v22, v20;
	_ =	sdelay $0x1  }
0x13e: {  	v19 =	vadd.f32 v20, v19;
	_ =	sdelay $0x1  }
0x13f: {  	[tilespmem:s18+$0xFFFFFFA0] =	vst v19  }
0x140: {  	v19 =	vld [tilespmem:s22+$0xFFFFF020]  }
0x141: {  	v20 =	vld [tilespmem:s22+$0x20]  }
0x142: {  	v21 =	vld [tilespmem:s22+$0x1020];
	_ =	sdelay $0x1  }
0x143: {  	v22 =	vld [tilespmem:s0+$0xFFFFFFB0];
	_ =	sdelay $0x1  }
0x144: {  	v20 =	vmul.f32 v20, v17  }
0x145: {  	v19 =	vmul.f32 v19, v16;
	v21 =	vmul.f32 v21, v18;
	_ =	sdelay $0x1  }
0x146: {  	v19 =	vadd.f32 v20, v19;
	v20 =	vadd.f32 v22, v21;
	_ =	sdelay $0x1  }
0x147: {  	v19 =	vadd.f32 v20, v19;
	_ =	sdelay $0x1  }
0x148: {  	[tilespmem:s18+$0xFFFFFFB0] =	vst v19  }
0x149: {  	v19 =	vld [tilespmem:s22+$0x30]  }
0x14a: {  	v20 =	vld [tilespmem:s22+$0x1030]  }
0x14b: {  	v21 =	vld [tilespmem:s22+$0xFFFFF030]  }
0x14c: {  	v22 =	vld [tilespmem:s0+$0xFFFFFFC0];
	_ =	sdelay $0x2  }
0x14d: {  	v20 =	vmul.f32 v20, v18  }
0x14e: {  	v19 =	vmul.f32 v19, v17;
	v21 =	vmul.f32 v21, v16  }
0x14f: {  	v20 =	vadd.f32 v22, v20  }
0x150: {  	v19 =	vadd.f32 v19, v21;
	_ =	sdelay $0x1  }
0x151: {  	v19 =	vadd.f32 v20, v19;
	_ =	sdelay $0x1  }
0x152: {  	[tilespmem:s18+$0xFFFFFFC0] =	vst v19  }
0x153: {  	v19 =	vld [tilespmem:s22+$0xFFFFF040]  }
0x154: {  	v20 =	vld [tilespmem:s22+$0x40]  }
0x155: {  	v21 =	vld [tilespmem:s22+$0x1040]  }
0x156: {  	v22 =	vld [tilespmem:s0+$0xFFFFFFD0];
	_ =	sdelay $0x2  }
0x157: {  	v20 =	vmul.f32 v20, v17  }
0x158: {  	v19 =	vmul.f32 v19, v16;
	v21 =	vmul.f32 v21, v18;
	_ =	sdelay $0x1  }
0x159: {  	v19 =	vadd.f32 v20, v19;
	v20 =	vadd.f32 v22, v21;
	_ =	sdelay $0x1  }
0x15a: {  	v19 =	vadd.f32 v20, v19;
	_ =	sdelay $0x1  }
0x15b: {  	[tilespmem:s18+$0xFFFFFFD0] =	vst v19  }
0x15c: {  	v19 =	vld [tilespmem:s22+$0xFFFFF050]  }
0x15d: {  	v20 =	vld [tilespmem:s22+$0x50]  }
0x15e: {  	v21 =	vld [tilespmem:s22+$0x1050]  }
0x15f: {  	v22 =	vld [tilespmem:s0+$0xFFFFFFE0];
	_ =	sdelay $0x2  }
0x160: {  	v20 =	vmul.f32 v20, v17  }
0x161: {  	v19 =	vmul.f32 v19, v16;
	v21 =	vmul.f32 v21, v18;
	_ =	sdelay $0x1  }
0x162: {  	v19 =	vadd.f32 v20, v19;
	v20 =	vadd.f32 v22, v21;
	_ =	sdelay $0x1  }
0x163: {  	v19 =	vadd.f32 v20, v19;
	_ =	sdelay $0x1  }
0x164: {  	[tilespmem:s18+$0xFFFFFFE0] =	vst v19  }
0x165: {  	v19 =	vld [tilespmem:s22+$0xFFFFF060]  }
0x166: {  	v20 =	vld [tilespmem:s22+$0x60]  }
0x167: {  	v21 =	vld [tilespmem:s22+$0x1060]  }
0x168: {  	v22 =	vld [tilespmem:s0+$0xFFFFFFF0];
	_ =	sdelay $0x1  }
0x169: {  	v19 =	vmul.f32 v19, v16  }
0x16a: {  	v20 =	vmul.f32 v20, v17  }
.Ltmp1:
0x16b: {  	v21 =	vmul.f32 v21, v18;
	(pc) =	sbr.rel @p0 .LBB2_4-.Ltmp1, $3  }
0x16c: {  	v19 =	vadd.f32 v20, v19  }
0x16d: {  	v20 =	vadd.f32 v22, v21;
	_ =	sdelay $0x1  }
0x16e: {  	s22 =	sadd.s32 $0x200, s22;
	v19 =	vadd.f32 v20, v19  }
0x16f: {  	_ = 	snop  }
0x170: {  	[tilespmem:s19+$0xFFFFFFF0] =	vst v19  }
0x171: {  	v19 =	vld [tilespmem:s1+$0x1070]  }
0x172: {  	v20 =	vld [tilespmem:s1+$0xFFFFF070]  }
0x173: {  	v21 =	vld [tilespmem:s1+$0x70];
	_ =	sdelay $0x1  }
0x174: {  	v22 =	vld [tilespmem:s20+$0x0];
	_ =	sdelay $0x1  }
0x175: {  	v18 =	vmul.f32 v19, v18  }
0x176: {  	v16 =	vmul.f32 v20, v16;
	v17 =	vmul.f32 v21, v17;
	_ =	sdelay $0x1  }
0x177: {  	v16 =	vadd.f32 v17, v16;
	v17 =	vadd.f32 v22, v18;
	_ =	sdelay $0x1  }
0x178: {  	v16 =	vadd.f32 v17, v16;
	_ =	sdelay $0x1  }
0x179: {  	[tilespmem:s19+$0x0] =	vst v16  }
0x17a: {  	v16 =	vld.idx.msk [tilespmem:v5+s2+$0x0], $0xffff  }
0x17b: {  	v17 =	vld.idx.msk [tilespmem:v10+s2+$0x0], $0xffff  }
0x17c: {  	s1 =	simm.s32 $0x1600;
	v18 =	vld.idx.msk [tilespmem:v11+s2+$0x0], $0xffff  }
0x17d: {  	v19 =	vld [tilespmem:s1+$0xFFFFF000]  }
0x17e: {  	v20 =	vld [tilespmem:s1+$0x0]  }
0x17f: {  	v50 =	vld [tilespmem:s1+$0x1000]  }
0x180: {  	s0 =	simm.s32 $0x3670  }
0x181: {  	v51 =	vld [tilespmem:s0+$0xFFFFFF90];
	_ =	sdelay $0x1  }
0x182: {  	v20 =	vmul.f32 v20, v17  }
0x183: {  	v19 =	vmul.f32 v19, v16;
	v21 =	vmul.f32 v50, v18;
	_ =	sdelay $0x1  }
0x184: {  	v19 =	vadd.f32 v20, v19;
	v20 =	vadd.f32 v51, v21;
	_ =	sdelay $0x1  }
0x185: {  	v19 =	vadd.f32 v20, v19  }
0x186: {  	s18 =	simm.s32 $0x4670  }
0x187: {  	[tilespmem:s18+$0xFFFFFF90] =	vst v19  }
0x188: {  	v19 =	vld [tilespmem:s1+$0xFFFFF010]  }
0x189: {  	v20 =	vld [tilespmem:s1+$0x1010]  }
0x18a: {  	v52 =	vld [tilespmem:s1+$0x10];
	_ =	sdelay $0x1  }
0x18b: {  	v53 =	vld [tilespmem:s0+$0xFFFFFFA0];
	_ =	sdelay $0x1  }
0x18c: {  	v19 =	vmul.f32 v19, v16  }
0x18d: {  	v20 =	vmul.f32 v20, v18;
	v21 =	vmul.f32 v52, v17;
	_ =	sdelay $0x1  }
0x18e: {  	v19 =	vadd.f32 v21, v19;
	v20 =	vadd.f32 v53, v20;
	_ =	sdelay $0x1  }
0x18f: {  	v19 =	vadd.f32 v20, v19;
	_ =	sdelay $0x1  }
0x190: {  	[tilespmem:s18+$0xFFFFFFA0] =	vst v19  }
0x191: {  	v19 =	vld [tilespmem:s1+$0xFFFFF020]  }
0x192: {  	v20 =	vld [tilespmem:s1+$0x20]  }
0x193: {  	v54 =	vld [tilespmem:s1+$0x1020];
	_ =	sdelay $0x1  }
0x194: {  	v55 =	vld [tilespmem:s0+$0xFFFFFFB0];
	_ =	sdelay $0x1  }
0x195: {  	v20 =	vmul.f32 v20, v17  }
0x196: {  	v19 =	vmul.f32 v19, v16;
	v21 =	vmul.f32 v54, v18;
	_ =	sdelay $0x1  }
0x197: {  	v19 =	vadd.f32 v20, v19;
	v20 =	vadd.f32 v55, v21;
	_ =	sdelay $0x1  }
0x198: {  	v19 =	vadd.f32 v20, v19;
	_ =	sdelay $0x1  }
0x199: {  	[tilespmem:s18+$0xFFFFFFB0] =	vst v19  }
0x19a: {  	v19 =	vld [tilespmem:s1+$0x30]  }
0x19b: {  	v20 =	vld [tilespmem:s1+$0x1030]  }
0x19c: {  	v56 =	vld [tilespmem:s1+$0xFFFFF030];
	_ =	sdelay $0x1  }
0x19d: {  	v57 =	vld [tilespmem:s0+$0xFFFFFFC0];
	_ =	sdelay $0x1  }
0x19e: {  	v20 =	vmul.f32 v20, v18  }
0x19f: {  	v21 =	vmul.f32 v56, v16;
	v19 =	vmul.f32 v19, v17;
	_ =	sdelay $0x1  }
0x1a0: {  	v20 =	vadd.f32 v57, v20;
	v19 =	vadd.f32 v19, v21;
	_ =	sdelay $0x1  }
0x1a1: {  	v19 =	vadd.f32 v20, v19;
	_ =	sdelay $0x1  }
0x1a2: {  	[tilespmem:s18+$0xFFFFFFC0] =	vst v19  }
0x1a3: {  	v19 =	vld [tilespmem:s1+$0xFFFFF040]  }
0x1a4: {  	v20 =	vld [tilespmem:s1+$0x40]  }
0x1a5: {  	v58 =	vld [tilespmem:s1+$0x1040];
	_ =	sdelay $0x1  }
0x1a6: {  	v59 =	vld [tilespmem:s0+$0xFFFFFFD0];
	_ =	sdelay $0x1  }
0x1a7: {  	v20 =	vmul.f32 v20, v17  }
0x1a8: {  	v19 =	vmul.f32 v19, v16;
	v21 =	vmul.f32 v58, v18;
	_ =	sdelay $0x1  }
0x1a9: {  	v19 =	vadd.f32 v20, v19;
	v20 =	vadd.f32 v59, v21;
	_ =	sdelay $0x1  }
0x1aa: {  	v19 =	vadd.f32 v20, v19;
	_ =	sdelay $0x1  }
0x1ab: {  	[tilespmem:s18+$0xFFFFFFD0] =	vst v19  }
0x1ac: {  	v19 =	vld [tilespmem:s1+$0xFFFFF050]  }
0x1ad: {  	v20 =	vld [tilespmem:s1+$0x50]  }
0x1ae: {  	v60 =	vld [tilespmem:s1+$0x1050];
	_ =	sdelay $0x1  }
0x1af: {  	v61 =	vld [tilespmem:s0+$0xFFFFFFE0];
	_ =	sdelay $0x1  }
0x1b0: {  	v20 =	vmul.f32 v20, v17  }
0x1b1: {  	v19 =	vmul.f32 v19, v16;
	v21 =	vmul.f32 v60, v18;
	_ =	sdelay $0x1  }
0x1b2: {  	v19 =	vadd.f32 v20, v19;
	v20 =	vadd.f32 v61, v21;
	_ =	sdelay $0x1  }
0x1b3: {  	v19 =	vadd.f32 v20, v19;
	_ =	sdelay $0x1  }
0x1b4: {  	[tilespmem:s18+$0xFFFFFFE0] =	vst v19  }
0x1b5: {  	v19 =	vld [tilespmem:s1+$0xFFFFF060]  }
0x1b6: {  	v20 =	vld [tilespmem:s1+$0x60]  }
0x1b7: {  	v62 =	vld [tilespmem:s1+$0x1060];
	_ =	sdelay $0x1  }
0x1b8: {  	v63 =	vld [tilespmem:s0+$0xFFFFFFF0];
	_ =	sdelay $0x1  }
0x1b9: {  	v19 =	vmul.f32 v19, v16  }
0x1ba: {  	v20 =	vmul.f32 v20, v17;
	v21 =	vmul.f32 v62, v18;
	_ =	sdelay $0x1  }
0x1bb: {  	v19 =	vadd.f32 v20, v19;
	v20 =	vadd.f32 v63, v21  }
0x1bc: {  	s21 =	simm.s32 $0x0  }
0x1bd: {  	s22 =	simm.s32 $0x1800;
	s20 =	simm.s32 $0x3670;
	s19 =	simm.s32 $0x4670;
	v19 =	vadd.f32 v20, v19  }
.LBB2_6:
0x1be: {  	s21 =	sadd.s32 $0x8, s21;
	s0 =	sadd.s32 $0x200, s0;
	s18 =	sadd.s32 $0x200, s18  }
0x1bf: {  	p0 =	slt.u32 s21, $0x38;
	[tilespmem:s19+$0xFFFFFFF0] =	vst v19  }
0x1c0: {  	v19 =	vld [tilespmem:s1+$0x1070]  }
0x1c1: {  	v20 =	vld [tilespmem:s1+$0xFFFFF070]  }
0x1c2: {  	v21 =	vld [tilespmem:s1+$0x70];
	s1 =	smov.u32 s22  }
0x1c3: {  	v22 =	vld [tilespmem:s20+$0x0];
	s20 =	smov.u32 s0;
	_ =	sdelay $0x1  }
0x1c4: {  	v19 =	vmul.f32 v19, v18  }
0x1c5: {  	v20 =	vmul.f32 v20, v16  }
0x1c6: {  	v21 =	vmul.f32 v21, v17;
	_ =	sdelay $0x1  }
0x1c7: {  	v19 =	vadd.f32 v22, v19;
	v20 =	vadd.f32 v21, v20;
	_ =	sdelay $0x1  }
0x1c8: {  	v19 =	vadd.f32 v19, v20;
	_ =	sdelay $0x1  }
0x1c9: {  	[tilespmem:s19+$0x0] =	vst v19;
	s19 =	smov.u32 s18  }
0x1ca: {  	v19 =	vld [tilespmem:s22+$0xFFFFF000]  }
0x1cb: {  	v20 =	vld [tilespmem:s22+$0x0]  }
0x1cc: {  	v21 =	vld [tilespmem:s22+$0x1000]  }
0x1cd: {  	v22 =	vld [tilespmem:s0+$0xFFFFFF90];
	_ =	sdelay $0x2  }
0x1ce: {  	v20 =	vmul.f32 v20, v17  }
0x1cf: {  	v19 =	vmul.f32 v19, v16;
	v21 =	vmul.f32 v21, v18;
	_ =	sdelay $0x1  }
0x1d0: {  	v19 =	vadd.f32 v20, v19;
	v20 =	vadd.f32 v22, v21;
	_ =	sdelay $0x1  }
0x1d1: {  	v19 =	vadd.f32 v20, v19;
	_ =	sdelay $0x1  }
0x1d2: {  	[tilespmem:s18+$0xFFFFFF90] =	vst v19  }
0x1d3: {  	v19 =	vld [tilespmem:s22+$0xFFFFF010]  }
0x1d4: {  	v20 =	vld [tilespmem:s22+$0x1010]  }
0x1d5: {  	v21 =	vld [tilespmem:s22+$0x10];
	_ =	sdelay $0x1  }
0x1d6: {  	v22 =	vld [tilespmem:s0+$0xFFFFFFA0]  }
0x1d7: {  	v19 =	vmul.f32 v19, v16  }
0x1d8: {  	v20 =	vmul.f32 v20, v18  }
0x1d9: {  	v21 =	vmul.f32 v21, v17;
	_ =	sdelay $0x1  }
0x1da: {  	v19 =	vadd.f32 v21, v19;
	v20 =	vadd.f32 v22, v20;
	_ =	sdelay $0x1  }
0x1db: {  	v19 =	vadd.f32 v20, v19;
	_ =	sdelay $0x1  }
0x1dc: {  	[tilespmem:s18+$0xFFFFFFA0] =	vst v19  }
0x1dd: {  	v19 =	vld [tilespmem:s22+$0xFFFFF020]  }
0x1de: {  	v20 =	vld [tilespmem:s22+$0x20]  }
0x1df: {  	v21 =	vld [tilespmem:s22+$0x1020];
	_ =	sdelay $0x1  }
0x1e0: {  	v22 =	vld [tilespmem:s0+$0xFFFFFFB0];
	_ =	sdelay $0x1  }
0x1e1: {  	v20 =	vmul.f32 v20, v17  }
0x1e2: {  	v19 =	vmul.f32 v19, v16;
	v21 =	vmul.f32 v21, v18;
	_ =	sdelay $0x1  }
0x1e3: {  	v19 =	vadd.f32 v20, v19;
	v20 =	vadd.f32 v22, v21;
	_ =	sdelay $0x1  }
0x1e4: {  	v19 =	vadd.f32 v20, v19;
	_ =	sdelay $0x1  }
0x1e5: {  	[tilespmem:s18+$0xFFFFFFB0] =	vst v19  }
0x1e6: {  	v19 =	vld [tilespmem:s22+$0x30]  }
0x1e7: {  	v20 =	vld [tilespmem:s22+$0x1030]  }
0x1e8: {  	v21 =	vld [tilespmem:s22+$0xFFFFF030]  }
0x1e9: {  	v22 =	vld [tilespmem:s0+$0xFFFFFFC0];
	_ =	sdelay $0x2  }
0x1ea: {  	v20 =	vmul.f32 v20, v18  }
0x1eb: {  	v19 =	vmul.f32 v19, v17;
	v21 =	vmul.f32 v21, v16  }
0x1ec: {  	v20 =	vadd.f32 v22, v20  }
0x1ed: {  	v19 =	vadd.f32 v19, v21;
	_ =	sdelay $0x1  }
0x1ee: {  	v19 =	vadd.f32 v20, v19;
	_ =	sdelay $0x1  }
0x1ef: {  	[tilespmem:s18+$0xFFFFFFC0] =	vst v19  }
0x1f0: {  	v19 =	vld [tilespmem:s22+$0xFFFFF040]  }
0x1f1: {  	v20 =	vld [tilespmem:s22+$0x40]  }
0x1f2: {  	v21 =	vld [tilespmem:s22+$0x1040]  }
0x1f3: {  	v22 =	vld [tilespmem:s0+$0xFFFFFFD0];
	_ =	sdelay $0x2  }
0x1f4: {  	v20 =	vmul.f32 v20, v17  }
0x1f5: {  	v19 =	vmul.f32 v19, v16;
	v21 =	vmul.f32 v21, v18;
	_ =	sdelay $0x1  }
0x1f6: {  	v19 =	vadd.f32 v20, v19;
	v20 =	vadd.f32 v22, v21;
	_ =	sdelay $0x1  }
0x1f7: {  	v19 =	vadd.f32 v20, v19;
	_ =	sdelay $0x1  }
0x1f8: {  	[tilespmem:s18+$0xFFFFFFD0] =	vst v19  }
0x1f9: {  	v19 =	vld [tilespmem:s22+$0xFFFFF050]  }
0x1fa: {  	v20 =	vld [tilespmem:s22+$0x50]  }
0x1fb: {  	v21 =	vld [tilespmem:s22+$0x1050]  }
0x1fc: {  	v22 =	vld [tilespmem:s0+$0xFFFFFFE0];
	_ =	sdelay $0x2  }
0x1fd: {  	v20 =	vmul.f32 v20, v17  }
0x1fe: {  	v19 =	vmul.f32 v19, v16;
	v21 =	vmul.f32 v21, v18;
	_ =	sdelay $0x1  }
0x1ff: {  	v19 =	vadd.f32 v20, v19;
	v20 =	vadd.f32 v22, v21;
	_ =	sdelay $0x1  }
0x200: {  	v19 =	vadd.f32 v20, v19;
	_ =	sdelay $0x1  }
0x201: {  	[tilespmem:s18+$0xFFFFFFE0] =	vst v19  }
0x202: {  	v19 =	vld [tilespmem:s22+$0xFFFFF060]  }
0x203: {  	v20 =	vld [tilespmem:s22+$0x60]  }
0x204: {  	v21 =	vld [tilespmem:s22+$0x1060]  }
0x205: {  	v22 =	vld [tilespmem:s0+$0xFFFFFFF0];
	_ =	sdelay $0x1  }
0x206: {  	v19 =	vmul.f32 v19, v16  }
0x207: {  	v20 =	vmul.f32 v20, v17  }
.Ltmp2:
0x208: {  	v21 =	vmul.f32 v21, v18;
	(pc) =	sbr.rel @p0 .LBB2_6-.Ltmp2, $3  }
0x209: {  	v19 =	vadd.f32 v20, v19  }
0x20a: {  	v20 =	vadd.f32 v22, v21;
	_ =	sdelay $0x1  }
0x20b: {  	s22 =	sadd.s32 $0x200, s22;
	v19 =	vadd.f32 v20, v19  }
0x20c: {  	_ = 	snop  }
0x20d: {  	[tilespmem:s19+$0xFFFFFFF0] =	vst v19  }
0x20e: {  	v19 =	vld [tilespmem:s1+$0x1070]  }
0x20f: {  	v20 =	vld [tilespmem:s1+$0xFFFFF070]  }
0x210: {  	v21 =	vld [tilespmem:s1+$0x70];
	_ =	sdelay $0x1  }
0x211: {  	v22 =	vld [tilespmem:s20+$0x0];
	_ =	sdelay $0x1  }
0x212: {  	v18 =	vmul.f32 v19, v18  }
0x213: {  	v16 =	vmul.f32 v20, v16;
	v17 =	vmul.f32 v21, v17;
	_ =	sdelay $0x1  }
0x214: {  	v16 =	vadd.f32 v17, v16;
	v17 =	vadd.f32 v22, v18;
	_ =	sdelay $0x1  }
0x215: {  	v16 =	vadd.f32 v17, v16;
	_ =	sdelay $0x1  }
0x216: {  	[tilespmem:s19+$0x0] =	vst v16  }
0x217: {  	v16 =	vld.idx.msk [tilespmem:v8+s2+$0x0], $0xffff  }
0x218: {  	v17 =	vld.idx.msk [tilespmem:v12+s2+$0x0], $0xffff  }
0x219: {  	s1 =	simm.s32 $0x1680;
	v18 =	vld.idx.msk [tilespmem:v13+s2+$0x0], $0xffff  }
0x21a: {  	v19 =	vld [tilespmem:s1+$0xFFFFF000]  }
0x21b: {  	v20 =	vld [tilespmem:s1+$0x0]  }
0x21c: {  	v50 =	vld [tilespmem:s1+$0x1000]  }
0x21d: {  	s0 =	simm.s32 $0x36F0  }
0x21e: {  	v51 =	vld [tilespmem:s0+$0xFFFFFF90];
	_ =	sdelay $0x1  }
0x21f: {  	v20 =	vmul.f32 v20, v17  }
0x220: {  	v19 =	vmul.f32 v19, v16;
	v21 =	vmul.f32 v50, v18;
	_ =	sdelay $0x1  }
0x221: {  	v19 =	vadd.f32 v20, v19;
	v20 =	vadd.f32 v51, v21;
	_ =	sdelay $0x1  }
0x222: {  	v19 =	vadd.f32 v20, v19  }
0x223: {  	s18 =	simm.s32 $0x46F0  }
0x224: {  	[tilespmem:s18+$0xFFFFFF90] =	vst v19  }
0x225: {  	v19 =	vld [tilespmem:s1+$0xFFFFF010]  }
0x226: {  	v20 =	vld [tilespmem:s1+$0x1010]  }
0x227: {  	v52 =	vld [tilespmem:s1+$0x10];
	_ =	sdelay $0x1  }
0x228: {  	v53 =	vld [tilespmem:s0+$0xFFFFFFA0];
	_ =	sdelay $0x1  }
0x229: {  	v19 =	vmul.f32 v19, v16  }
0x22a: {  	v20 =	vmul.f32 v20, v18;
	v21 =	vmul.f32 v52, v17;
	_ =	sdelay $0x1  }
0x22b: {  	v19 =	vadd.f32 v21, v19;
	v20 =	vadd.f32 v53, v20;
	_ =	sdelay $0x1  }
0x22c: {  	v19 =	vadd.f32 v20, v19;
	_ =	sdelay $0x1  }
0x22d: {  	[tilespmem:s18+$0xFFFFFFA0] =	vst v19  }
0x22e: {  	v19 =	vld [tilespmem:s1+$0xFFFFF020]  }
0x22f: {  	v20 =	vld [tilespmem:s1+$0x20]  }
0x230: {  	v54 =	vld [tilespmem:s1+$0x1020];
	_ =	sdelay $0x1  }
0x231: {  	v55 =	vld [tilespmem:s0+$0xFFFFFFB0];
	_ =	sdelay $0x1  }
0x232: {  	v20 =	vmul.f32 v20, v17  }
0x233: {  	v19 =	vmul.f32 v19, v16;
	v21 =	vmul.f32 v54, v18;
	_ =	sdelay $0x1  }
0x234: {  	v19 =	vadd.f32 v20, v19;
	v20 =	vadd.f32 v55, v21;
	_ =	sdelay $0x1  }
0x235: {  	v19 =	vadd.f32 v20, v19;
	_ =	sdelay $0x1  }
0x236: {  	[tilespmem:s18+$0xFFFFFFB0] =	vst v19  }
0x237: {  	v19 =	vld [tilespmem:s1+$0x30]  }
0x238: {  	v20 =	vld [tilespmem:s1+$0x1030]  }
0x239: {  	v56 =	vld [tilespmem:s1+$0xFFFFF030];
	_ =	sdelay $0x1  }
0x23a: {  	v57 =	vld [tilespmem:s0+$0xFFFFFFC0];
	_ =	sdelay $0x1  }
0x23b: {  	v20 =	vmul.f32 v20, v18  }
0x23c: {  	v21 =	vmul.f32 v56, v16;
	v19 =	vmul.f32 v19, v17;
	_ =	sdelay $0x1  }
0x23d: {  	v20 =	vadd.f32 v57, v20;
	v19 =	vadd.f32 v19, v21;
	_ =	sdelay $0x1  }
0x23e: {  	v19 =	vadd.f32 v20, v19;
	_ =	sdelay $0x1  }
0x23f: {  	[tilespmem:s18+$0xFFFFFFC0] =	vst v19  }
0x240: {  	v19 =	vld [tilespmem:s1+$0xFFFFF040]  }
0x241: {  	v20 =	vld [tilespmem:s1+$0x40]  }
0x242: {  	v58 =	vld [tilespmem:s1+$0x1040];
	_ =	sdelay $0x1  }
0x243: {  	v59 =	vld [tilespmem:s0+$0xFFFFFFD0];
	_ =	sdelay $0x1  }
0x244: {  	v20 =	vmul.f32 v20, v17  }
0x245: {  	v19 =	vmul.f32 v19, v16;
	v21 =	vmul.f32 v58, v18;
	_ =	sdelay $0x1  }
0x246: {  	v19 =	vadd.f32 v20, v19;
	v20 =	vadd.f32 v59, v21;
	_ =	sdelay $0x1  }
0x247: {  	v19 =	vadd.f32 v20, v19;
	_ =	sdelay $0x1  }
0x248: {  	[tilespmem:s18+$0xFFFFFFD0] =	vst v19  }
0x249: {  	v19 =	vld [tilespmem:s1+$0xFFFFF050]  }
0x24a: {  	v20 =	vld [tilespmem:s1+$0x50]  }
0x24b: {  	v60 =	vld [tilespmem:s1+$0x1050];
	_ =	sdelay $0x1  }
0x24c: {  	v61 =	vld [tilespmem:s0+$0xFFFFFFE0];
	_ =	sdelay $0x1  }
0x24d: {  	v20 =	vmul.f32 v20, v17  }
0x24e: {  	v19 =	vmul.f32 v19, v16;
	v21 =	vmul.f32 v60, v18;
	_ =	sdelay $0x1  }
0x24f: {  	v19 =	vadd.f32 v20, v19;
	v20 =	vadd.f32 v61, v21;
	_ =	sdelay $0x1  }
0x250: {  	v19 =	vadd.f32 v20, v19;
	_ =	sdelay $0x1  }
0x251: {  	[tilespmem:s18+$0xFFFFFFE0] =	vst v19  }
0x252: {  	v19 =	vld [tilespmem:s1+$0xFFFFF060]  }
0x253: {  	v20 =	vld [tilespmem:s1+$0x60]  }
0x254: {  	v62 =	vld [tilespmem:s1+$0x1060];
	_ =	sdelay $0x1  }
0x255: {  	v63 =	vld [tilespmem:s0+$0xFFFFFFF0];
	_ =	sdelay $0x1  }
0x256: {  	v19 =	vmul.f32 v19, v16  }
0x257: {  	v20 =	vmul.f32 v20, v17;
	v21 =	vmul.f32 v62, v18;
	_ =	sdelay $0x1  }
0x258: {  	v19 =	vadd.f32 v20, v19;
	v20 =	vadd.f32 v63, v21  }
0x259: {  	s21 =	simm.s32 $0x0  }
0x25a: {  	s22 =	simm.s32 $0x1880;
	s20 =	simm.s32 $0x36F0;
	s19 =	simm.s32 $0x46F0;
	v19 =	vadd.f32 v20, v19  }
.LBB2_8:
0x25b: {  	s21 =	sadd.s32 $0x8, s21;
	s0 =	sadd.s32 $0x200, s0;
	s18 =	sadd.s32 $0x200, s18  }
0x25c: {  	p0 =	slt.u32 s21, $0x38;
	[tilespmem:s19+$0xFFFFFFF0] =	vst v19  }
0x25d: {  	v19 =	vld [tilespmem:s1+$0x1070]  }
0x25e: {  	v20 =	vld [tilespmem:s1+$0xFFFFF070]  }
0x25f: {  	v21 =	vld [tilespmem:s1+$0x70];
	s1 =	smov.u32 s22  }
0x260: {  	v22 =	vld [tilespmem:s20+$0x0];
	s20 =	smov.u32 s0;
	_ =	sdelay $0x1  }
0x261: {  	v19 =	vmul.f32 v19, v18  }
0x262: {  	v20 =	vmul.f32 v20, v16  }
0x263: {  	v21 =	vmul.f32 v21, v17;
	_ =	sdelay $0x1  }
0x264: {  	v19 =	vadd.f32 v22, v19;
	v20 =	vadd.f32 v21, v20;
	_ =	sdelay $0x1  }
0x265: {  	v19 =	vadd.f32 v19, v20;
	_ =	sdelay $0x1  }
0x266: {  	[tilespmem:s19+$0x0] =	vst v19;
	s19 =	smov.u32 s18  }
0x267: {  	v19 =	vld [tilespmem:s22+$0xFFFFF000]  }
0x268: {  	v20 =	vld [tilespmem:s22+$0x0]  }
0x269: {  	v21 =	vld [tilespmem:s22+$0x1000]  }
0x26a: {  	v22 =	vld [tilespmem:s0+$0xFFFFFF90];
	_ =	sdelay $0x2  }
0x26b: {  	v20 =	vmul.f32 v20, v17  }
0x26c: {  	v19 =	vmul.f32 v19, v16;
	v21 =	vmul.f32 v21, v18;
	_ =	sdelay $0x1  }
0x26d: {  	v19 =	vadd.f32 v20, v19;
	v20 =	vadd.f32 v22, v21;
	_ =	sdelay $0x1  }
0x26e: {  	v19 =	vadd.f32 v20, v19;
	_ =	sdelay $0x1  }
0x26f: {  	[tilespmem:s18+$0xFFFFFF90] =	vst v19  }
0x270: {  	v19 =	vld [tilespmem:s22+$0xFFFFF010]  }
0x271: {  	v20 =	vld [tilespmem:s22+$0x1010]  }
0x272: {  	v21 =	vld [tilespmem:s22+$0x10];
	_ =	sdelay $0x1  }
0x273: {  	v22 =	vld [tilespmem:s0+$0xFFFFFFA0]  }
0x274: {  	v19 =	vmul.f32 v19, v16  }
0x275: {  	v20 =	vmul.f32 v20, v18  }
0x276: {  	v21 =	vmul.f32 v21, v17;
	_ =	sdelay $0x1  }
0x277: {  	v19 =	vadd.f32 v21, v19;
	v20 =	vadd.f32 v22, v20;
	_ =	sdelay $0x1  }
0x278: {  	v19 =	vadd.f32 v20, v19;
	_ =	sdelay $0x1  }
0x279: {  	[tilespmem:s18+$0xFFFFFFA0] =	vst v19  }
0x27a: {  	v19 =	vld [tilespmem:s22+$0xFFFFF020]  }
0x27b: {  	v20 =	vld [tilespmem:s22+$0x20]  }
0x27c: {  	v21 =	vld [tilespmem:s22+$0x1020];
	_ =	sdelay $0x1  }
0x27d: {  	v22 =	vld [tilespmem:s0+$0xFFFFFFB0];
	_ =	sdelay $0x1  }
0x27e: {  	v20 =	vmul.f32 v20, v17  }
0x27f: {  	v19 =	vmul.f32 v19, v16;
	v21 =	vmul.f32 v21, v18;
	_ =	sdelay $0x1  }
0x280: {  	v19 =	vadd.f32 v20, v19;
	v20 =	vadd.f32 v22, v21;
	_ =	sdelay $0x1  }
0x281: {  	v19 =	vadd.f32 v20, v19;
	_ =	sdelay $0x1  }
0x282: {  	[tilespmem:s18+$0xFFFFFFB0] =	vst v19  }
0x283: {  	v19 =	vld [tilespmem:s22+$0x30]  }
0x284: {  	v20 =	vld [tilespmem:s22+$0x1030]  }
0x285: {  	v21 =	vld [tilespmem:s22+$0xFFFFF030]  }
0x286: {  	v22 =	vld [tilespmem:s0+$0xFFFFFFC0];
	_ =	sdelay $0x2  }
0x287: {  	v20 =	vmul.f32 v20, v18  }
0x288: {  	v19 =	vmul.f32 v19, v17;
	v21 =	vmul.f32 v21, v16  }
0x289: {  	v20 =	vadd.f32 v22, v20  }
0x28a: {  	v19 =	vadd.f32 v19, v21;
	_ =	sdelay $0x1  }
0x28b: {  	v19 =	vadd.f32 v20, v19;
	_ =	sdelay $0x1  }
0x28c: {  	[tilespmem:s18+$0xFFFFFFC0] =	vst v19  }
0x28d: {  	v19 =	vld [tilespmem:s22+$0xFFFFF040]  }
0x28e: {  	v20 =	vld [tilespmem:s22+$0x40]  }
0x28f: {  	v21 =	vld [tilespmem:s22+$0x1040]  }
0x290: {  	v22 =	vld [tilespmem:s0+$0xFFFFFFD0];
	_ =	sdelay $0x2  }
0x291: {  	v20 =	vmul.f32 v20, v17  }
0x292: {  	v19 =	vmul.f32 v19, v16;
	v21 =	vmul.f32 v21, v18;
	_ =	sdelay $0x1  }
0x293: {  	v19 =	vadd.f32 v20, v19;
	v20 =	vadd.f32 v22, v21;
	_ =	sdelay $0x1  }
0x294: {  	v19 =	vadd.f32 v20, v19;
	_ =	sdelay $0x1  }
0x295: {  	[tilespmem:s18+$0xFFFFFFD0] =	vst v19  }
0x296: {  	v19 =	vld [tilespmem:s22+$0xFFFFF050]  }
0x297: {  	v20 =	vld [tilespmem:s22+$0x50]  }
0x298: {  	v21 =	vld [tilespmem:s22+$0x1050]  }
0x299: {  	v22 =	vld [tilespmem:s0+$0xFFFFFFE0];
	_ =	sdelay $0x2  }
0x29a: {  	v20 =	vmul.f32 v20, v17  }
0x29b: {  	v19 =	vmul.f32 v19, v16;
	v21 =	vmul.f32 v21, v18;
	_ =	sdelay $0x1  }
0x29c: {  	v19 =	vadd.f32 v20, v19;
	v20 =	vadd.f32 v22, v21;
	_ =	sdelay $0x1  }
0x29d: {  	v19 =	vadd.f32 v20, v19;
	_ =	sdelay $0x1  }
0x29e: {  	[tilespmem:s18+$0xFFFFFFE0] =	vst v19  }
0x29f: {  	v19 =	vld [tilespmem:s22+$0xFFFFF060]  }
0x2a0: {  	v20 =	vld [tilespmem:s22+$0x60]  }
0x2a1: {  	v21 =	vld [tilespmem:s22+$0x1060]  }
0x2a2: {  	v22 =	vld [tilespmem:s0+$0xFFFFFFF0];
	_ =	sdelay $0x1  }
0x2a3: {  	v19 =	vmul.f32 v19, v16  }
0x2a4: {  	v20 =	vmul.f32 v20, v17  }
.Ltmp3:
0x2a5: {  	v21 =	vmul.f32 v21, v18;
	(pc) =	sbr.rel @p0 .LBB2_8-.Ltmp3, $3  }
0x2a6: {  	v19 =	vadd.f32 v20, v19  }
0x2a7: {  	v20 =	vadd.f32 v22, v21;
	_ =	sdelay $0x1  }
0x2a8: {  	s22 =	sadd.s32 $0x200, s22;
	v19 =	vadd.f32 v20, v19  }
0x2a9: {  	_ = 	snop  }
0x2aa: {  	[tilespmem:s19+$0xFFFFFFF0] =	vst v19  }
0x2ab: {  	v19 =	vld [tilespmem:s1+$0x1070]  }
0x2ac: {  	v20 =	vld [tilespmem:s1+$0xFFFFF070]  }
0x2ad: {  	v21 =	vld [tilespmem:s1+$0x70];
	_ =	sdelay $0x1  }
0x2ae: {  	v22 =	vld [tilespmem:s20+$0x0];
	_ =	sdelay $0x1  }
0x2af: {  	v18 =	vmul.f32 v19, v18  }
0x2b0: {  	v16 =	vmul.f32 v20, v16;
	v17 =	vmul.f32 v21, v17;
	_ =	sdelay $0x1  }
0x2b1: {  	v16 =	vadd.f32 v17, v16;
	v17 =	vadd.f32 v22, v18;
	_ =	sdelay $0x1  }
0x2b2: {  	s31 =	sadd.s32 $0x1, s31;
	v16 =	vadd.f32 v17, v16  }
0x2b3: {  	p0 =	sne.s32 s31, s15  }
.Ltmp4:
0x2b4: {  	[tilespmem:s19+$0x0] =	vst v16;
	(pc) =	sbr.rel @p0 .LBB2_1-.Ltmp4, $4  }
0x2b5: {  	[hbm4b:s14+s29] =	stream.strided.scatter [tilespmem:s30], [sflag:$0x3], $0x1000, s17, s29, $0x38;
	[tilespmem:$0x5500] =	vst v63  }
0x2b6: {  	_ =	swait.ge [sflag:s16], $0x1000  }
0x2b7: {  	[sflag:s16] =	ssyncset.done $0x0  }
0x2b8: {  	[sflag:s16] =	ssyncadd.s32 $0xFFFFF000  }
0x2b9: {  	_ =	sfence.sel $0x180000  }
0x2ba: {  	[bflag:$0x0] =	sbarrier.arrive $0xFFFF  }
0x2bb: {  	_ =	strace $0x90000047  }
0x2bc: {  	s0 =	stileid.u32;
	[bflag:$0x2] =	sbarrier.arrive $0xFFFF  }
0x2bd: {  	p0 =	sne.s32 s0, $0x0;
	s0 =	rddreg [dreg:$0x2]  }
0x2be: {  	s0 =	sadd.s32 @!p0 $0x100000, s0  }
0x2bf: {  	[sflag:s0] =	ssyncadd.tile.s32 @!p0 $0x1;
	_ =	shalt  }
.Lfunc_end2:
_tile_overlayer_lowered:
.L_overlay_start_2:
0x2c0: {  	(tag) =	ssettag $0x2  }
0x2c1: {  	s0 =	rddreg [dreg:$0x0];
	s2 =	stileid.u32  }
0x2c2: {  	s1 =	rddreg [dreg:$0x1];
	p0 =	sne.s32 s2, $0x0  }
0x2c3: {  	s3 =	rddreg [dreg:$0x2];
	[bflag:$0x3] =	sbarrier.arrive $0xFFFF;
	s2 =	simm.s32 @!p0 $0x1C03  }
0x2c4: {  	[timem:s3], [sflag:s2] =	dma.local @!p0 [hbm:s0], s1  }
0x2c5: {  	s0 =	simm.s32 @!p0 $0x3  }
0x2c6: {  	_ =	swait.ge @!p0 [sflag:s0], s1  }
0x2c7: {  	s1 =	ssub.s32 @!p0 $0x0, s1;
	[sflag:s0] =	ssyncset.done @!p0 $0x0  }
0x2c8: {  	[sflag:s0] =	ssyncadd.s32 @!p0 s1  }
0x2c9: {  	[bflag:$0x3] =	sbarrier.arrive $0xFFFF  }
0x2ca: {  	_ =	shalt  }

</sc_bundles>
